<compile_context>
chip_gen: v7x
topology: tpu7x:2x2x1
jax: 0.10.2.dev20260603
libtpu: 0.0.44.dev20260713+nightly
codegen_flags: <defaults>
</compile_context>

<pallas_src>
import functools

import jax
import jax.numpy as jnp
from jax import lax
from jax.experimental import pallas as pl
from jax.experimental.pallas import tpu as pltpu
from jax.experimental.pallas import tpu_sc as plsc

_B, _T, _K, _C = 32, 2000, 7, 128
_TC = 500
_NG = _T // _TC
_ROWS = _TC + _K - 1


def _conv_input_body(in_hbm, out_hbm, buf0, buf1, gsem, ssem0, ssem1):
    b = lax.axis_index("s") * 2 + lax.axis_index("c")
    bufs = (buf0, buf1)
    ssems = (ssem0, ssem1)

    zvec = jnp.zeros((16,), jnp.float32)
    for r in range(_K - 1):
        for c0 in range(0, _C, 16):
            buf0[r, pl.ds(c0, 16)] = zvec

    def start_gather(g):
        buf = bufs[g % 2]
        if g == 0:
            return pltpu.async_copy(
                in_hbm.at[b, pl.ds(0, _TC)], buf.at[pl.ds(_K - 1, _TC)], gsem)
        return pltpu.async_copy(
            in_hbm.at[b, pl.ds(g * _TC - (_K - 1), _ROWS)], buf, gsem)

    gather = start_gather(0)
    pending = [None, None]
    for g in range(_NG):
        buf = bufs[g % 2]
        ssem = ssems[g % 2]
        gather.wait()
        if g + 1 < _NG:
            nxt = (g + 1) % 2
            if pending[nxt] is not None:
                for d in pending[nxt]:
                    d.wait()
                pending[nxt] = None
            gather = start_gather(g + 1)
        descs = []
        for j in range(_K):
            descs.append(pltpu.async_copy(
                buf.at[pl.ds(j, _TC)],
                out_hbm.at[b, j, pl.ds(g * _TC, _TC)], ssem))
        pending[g % 2] = descs
    for p in pending:
        if p is not None:
            for d in p:
                d.wait()


@functools.partial(
    pl.kernel,
    out_type=jax.ShapeDtypeStruct((_B, _K, _T, _C), jnp.float32),
    mesh=plsc.VectorSubcoreMesh(core_axis_name="c", subcore_axis_name="s"),
    compiler_params=pltpu.CompilerParams(use_tc_tiling_on_sc=False),
    scratch_types=[
        pltpu.VMEM((_ROWS, _C), jnp.float32),
        pltpu.VMEM((_ROWS, _C), jnp.float32),
        pltpu.SemaphoreType.DMA,
        pltpu.SemaphoreType.DMA,
        pltpu.SemaphoreType.DMA,
    ],
)
def _conv_input(in_hbm, out_hbm, buf0, buf1, gsem, ssem0, ssem1):
    _conv_input_body(in_hbm, out_hbm, buf0, buf1, gsem, ssem0, ssem1)


def kernel(inputs):
    return jnp.transpose(_conv_input(inputs), (0, 2, 1, 3))

# --- scband reference (transcript-rebuilt; emitter-appended) ---
"""Pipeline reference for scband-conv-input-59631325938010 (READ-ONLY COPY).

The authoritative reference and input builder live on the scoring server;
editing this copy changes nothing except your own understanding.
"""

import jax, jax.numpy as jnp
import numpy as np


def setup_inputs(seed: int = 0) -> dict:
    key = jax.random.key(seed)
    inputs = jax.random.normal(key, (32, 2000, 128), dtype=jnp.float32)
    return {"inputs": inputs}


def reference(inputs):
    # Faithful translation of Conv_input.call:
    # for i in range(2000): for j in range(7): if i-(6-j) >= 0:
    #     w[:, i, j, :] = inputs[:, i-(6-j), :]
    # w is zero-initialized, so unassigned (i,j) slots stay 0.
    B, T, C = inputs.shape
    K = 7
    i_grid = jnp.arange(T)[:, None]            # [T,1]
    j_grid = jnp.arange(K)[None, :]            # [1,K]
    src = i_grid - (K - 1) + j_grid            # src time index i-6+j, [T,K]
    valid = (src >= 0)
    ii = jnp.broadcast_to(i_grid, (T, K)).reshape(-1)   # dst time
    jj = jnp.broadcast_to(j_grid, (T, K)).reshape(-1)   # dst tap
    src_flat = src.reshape(-1)
    src_clipped = jnp.clip(src_flat, 0, T - 1)
    vals = jnp.take(inputs, src_clipped, axis=1)        # gather: [B, T*K, C]
    vals = jnp.where(valid.reshape(-1)[None, :, None], vals, 0.0)
    w = jnp.zeros((B, T, K, C), dtype=inputs.dtype)
    w = w.at[:, ii, jj, :].set(vals)                    # scatter-overwrite
    return w

if __name__ == "__main__":
    import jax
    _d = setup_inputs()
    print(jax.jit(kernel)(*tuple(_d.values())))

</pallas_src>

<mosaic_0001>
#map = affine_map<(d0, d1) -> (0, 0, 0)>
#map1 = affine_map<(d0, d1) -> (0, 0, 0, 0)>
module attributes {stable_mosaic.version = 14 : i64} {
  func.func @_conv_input(%arg0: i32, %arg1: i32, %arg2: memref<32x2000x128xf32, #tpu.memory_space<hbm>>, %arg3: memref<32x7x2000x128xf32, #tpu.memory_space<hbm>>, %arg4: memref<506x128xf32, #tpu.memory_space<vmem>>, %arg5: memref<506x128xf32, #tpu.memory_space<vmem>>, %arg6: memref<!tpu.dma_semaphore, #tpu.memory_space<semaphore_mem>>, %arg7: memref<!tpu.dma_semaphore, #tpu.memory_space<semaphore_mem>>, %arg8: memref<!tpu.dma_semaphore, #tpu.memory_space<semaphore_mem>>) attributes {dimension_semantics = [#tpu.dimension_semantics<core_parallel>, #tpu.dimension_semantics<subcore_parallel>], iteration_bounds = array<i64: 2, 16>, scalar_prefetch = 0 : i64, scratch_operands = 5 : i64, tpu.core_type = #tpu.core_type<sc_vector_subcore>, window_params = [{transform_indices = #map}, {transform_indices = #map1}]} {
    %mul3A = arith.constant 2 : i32
    %mul3A_0 = arith.muli %arg1, %mul3A : i32
    %add3A = arith.addi %mul3A_0, %arg0 : i32
    %broadcast_in_dim3A = arith.constant 0.000000e+00 : f32
    %broadcast_in_dim3A_1 = vector.broadcast %broadcast_in_dim3A : f32 to vector<16xf32>
    %swap3A = arith.constant 0 : i32
    %swap3A_2 = arith.index_cast %swap3A : i32 to index
    %swap3A_3 = arith.constant 0 : index
    %swap3A_4 = tpu.vector_load %arg4[%swap3A_2, %swap3A_3] {strides = array<i32>} : memref<506x128xf32, #tpu.memory_space<vmem>>, vector<1x16xf32>,
    %swap3A_5 = vector.shape_cast %swap3A_4 : vector<1x16xf32> to vector<16xf32>
    %swap3A_6 = vector.shape_cast %broadcast_in_dim3A_1 : vector<16xf32> to vector<1x16xf32>
    tpu.vector_store %arg4[%swap3A_2, %swap3A_3], %swap3A_6 {strides = array<i32>} : memref<506x128xf32, #tpu.memory_space<vmem>>, vector<1x16xf32>,
    %swap3A_7 = arith.constant 0 : i32
    %swap3A_8 = arith.index_cast %swap3A_7 : i32 to index
    %swap3A_9 = arith.constant 16 : index
    %swap3A_10 = tpu.vector_load %arg4[%swap3A_8, %swap3A_9] {strides = array<i32>} : memref<506x128xf32, #tpu.memory_space<vmem>>, vector<1x16xf32>,
    %swap3A_11 = vector.shape_cast %swap3A_10 : vector<1x16xf32> to vector<16xf32>
    %swap3A_12 = vector.shape_cast %broadcast_in_dim3A_1 : vector<16xf32> to vector<1x16xf32>
    tpu.vector_store %arg4[%swap3A_8, %swap3A_9], %swap3A_12 {strides = array<i32>} : memref<506x128xf32, #tpu.memory_space<vmem>>, vector<1x16xf32>,
    %swap3A_13 = arith.constant 0 : i32
    %swap3A_14 = arith.index_cast %swap3A_13 : i32 to index
    %swap3A_15 = arith.constant 32 : index
    %swap3A_16 = tpu.vector_load %arg4[%swap3A_14, %swap3A_15] {strides = array<i32>} : memref<506x128xf32, #tpu.memory_space<vmem>>, vector<1x16xf32>,
    %swap3A_17 = vector.shape_cast %swap3A_16 : vector<1x16xf32> to vector<16xf32>
    %swap3A_18 = vector.shape_cast %broadcast_in_dim3A_1 : vector<16xf32> to vector<1x16xf32>
    tpu.vector_store %arg4[%swap3A_14, %swap3A_15], %swap3A_18 {strides = array<i32>} : memref<506x128xf32, #tpu.memory_space<vmem>>, vector<1x16xf32>,
    %swap3A_19 = arith.constant 0 : i32
    %swap3A_20 = arith.index_cast %swap3A_19 : i32 to index
    %swap3A_21 = arith.constant 48 : index
    %swap3A_22 = tpu.vector_load %arg4[%swap3A_20, %swap3A_21] {strides = array<i32>} : memref<506x128xf32, #tpu.memory_space<vmem>>, vector<1x16xf32>,
    %swap3A_23 = vector.shape_cast %swap3A_22 : vector<1x16xf32> to vector<16xf32>
    %swap3A_24 = vector.shape_cast %broadcast_in_dim3A_1 : vector<16xf32> to vector<1x16xf32>
    tpu.vector_store %arg4[%swap3A_20, %swap3A_21], %swap3A_24 {strides = array<i32>} : memref<506x128xf32, #tpu.memory_space<vmem>>, vector<1x16xf32>,
    %swap3A_25 = arith.constant 0 : i32
    %swap3A_26 = arith.index_cast %swap3A_25 : i32 to index
    %swap3A_27 = arith.constant 64 : index
    %swap3A_28 = tpu.vector_load %arg4[%swap3A_26, %swap3A_27] {strides = array<i32>} : memref<506x128xf32, #tpu.memory_space<vmem>>, vector<1x16xf32>,
    %swap3A_29 = vector.shape_cast %swap3A_28 : vector<1x16xf32> to vector<16xf32>
    %swap3A_30 = vector.shape_cast %broadcast_in_dim3A_1 : vector<16xf32> to vector<1x16xf32>
    tpu.vector_store %arg4[%swap3A_26, %swap3A_27], %swap3A_30 {strides = array<i32>} : memref<506x128xf32, #tpu.memory_space<vmem>>, vector<1x16xf32>,
    %swap3A_31 = arith.constant 0 : i32
    %swap3A_32 = arith.index_cast %swap3A_31 : i32 to index
    %swap3A_33 = arith.constant 80 : index
    %swap3A_34 = tpu.vector_load %arg4[%swap3A_32, %swap3A_33] {strides = array<i32>} : memref<506x128xf32, #tpu.memory_space<vmem>>, vector<1x16xf32>,
    %swap3A_35 = vector.shape_cast %swap3A_34 : vector<1x16xf32> to vector<16xf32>
    %swap3A_36 = vector.shape_cast %broadcast_in_dim3A_1 : vector<16xf32> to vector<1x16xf32>
    tpu.vector_store %arg4[%swap3A_32, %swap3A_33], %swap3A_36 {strides = array<i32>} : memref<506x128xf32, #tpu.memory_space<vmem>>, vector<1x16xf32>,
    %swap3A_37 = arith.constant 0 : i32
    %swap3A_38 = arith.index_cast %swap3A_37 : i32 to index
    %swap3A_39 = arith.constant 96 : index
    %swap3A_40 = tpu.vector_load %arg4[%swap3A_38, %swap3A_39] {strides = array<i32>} : memref<506x128xf32, #tpu.memory_space<vmem>>, vector<1x16xf32>,
    %swap3A_41 = vector.shape_cast %swap3A_40 : vector<1x16xf32> to vector<16xf32>
    %swap3A_42 = vector.shape_cast %broadcast_in_dim3A_1 : vector<16xf32> to vector<1x16xf32>
    tpu.vector_store %arg4[%swap3A_38, %swap3A_39], %swap3A_42 {strides = array<i32>} : memref<506x128xf32, #tpu.memory_space<vmem>>, vector<1x16xf32>,
    %swap3A_43 = arith.constant 0 : i32
    %swap3A_44 = arith.index_cast %swap3A_43 : i32 to index
    %swap3A_45 = arith.constant 112 : index
    %swap3A_46 = tpu.vector_load %arg4[%swap3A_44, %swap3A_45] {strides = array<i32>} : memref<506x128xf32, #tpu.memory_space<vmem>>, vector<1x16xf32>,
    %swap3A_47 = vector.shape_cast %swap3A_46 : vector<1x16xf32> to vector<16xf32>
    %swap3A_48 = vector.shape_cast %broadcast_in_dim3A_1 : vector<16xf32> to vector<1x16xf32>
    tpu.vector_store %arg4[%swap3A_44, %swap3A_45], %swap3A_48 {strides = array<i32>} : memref<506x128xf32, #tpu.memory_space<vmem>>, vector<1x16xf32>,
    %swap3A_49 = arith.constant 1 : i32
    %swap3A_50 = arith.index_cast %swap3A_49 : i32 to index
    %swap3A_51 = arith.constant 0 : index
    %swap3A_52 = tpu.vector_load %arg4[%swap3A_50, %swap3A_51] {strides = array<i32>} : memref<506x128xf32, #tpu.memory_space<vmem>>, vector<1x16xf32>,
    %swap3A_53 = vector.shape_cast %swap3A_52 : vector<1x16xf32> to vector<16xf32>
    %swap3A_54 = vector.shape_cast %broadcast_in_dim3A_1 : vector<16xf32> to vector<1x16xf32>
    tpu.vector_store %arg4[%swap3A_50, %swap3A_51], %swap3A_54 {strides = array<i32>} : memref<506x128xf32, #tpu.memory_space<vmem>>, vector<1x16xf32>,
    %swap3A_55 = arith.constant 1 : i32
    %swap3A_56 = arith.index_cast %swap3A_55 : i32 to index
    %swap3A_57 = arith.constant 16 : index
    %swap3A_58 = tpu.vector_load %arg4[%swap3A_56, %swap3A_57] {strides = array<i32>} : memref<506x128xf32, #tpu.memory_space<vmem>>, vector<1x16xf32>,
    %swap3A_59 = vector.shape_cast %swap3A_58 : vector<1x16xf32> to vector<16xf32>
    %swap3A_60 = vector.shape_cast %broadcast_in_dim3A_1 : vector<16xf32> to vector<1x16xf32>
    tpu.vector_store %arg4[%swap3A_56, %swap3A_57], %swap3A_60 {strides = array<i32>} : memref<506x128xf32, #tpu.memory_space<vmem>>, vector<1x16xf32>,
    %swap3A_61 = arith.constant 1 : i32
    %swap3A_62 = arith.index_cast %swap3A_61 : i32 to index
    %swap3A_63 = arith.constant 32 : index
    %swap3A_64 = tpu.vector_load %arg4[%swap3A_62, %swap3A_63] {strides = array<i32>} : memref<506x128xf32, #tpu.memory_space<vmem>>, vector<1x16xf32>,
    %swap3A_65 = vector.shape_cast %swap3A_64 : vector<1x16xf32> to vector<16xf32>
    %swap3A_66 = vector.shape_cast %broadcast_in_dim3A_1 : vector<16xf32> to vector<1x16xf32>
    tpu.vector_store %arg4[%swap3A_62, %swap3A_63], %swap3A_66 {strides = array<i32>} : memref<506x128xf32, #tpu.memory_space<vmem>>, vector<1x16xf32>,
    %swap3A_67 = arith.constant 1 : i32
    %swap3A_68 = arith.index_cast %swap3A_67 : i32 to index
    %swap3A_69 = arith.constant 48 : index
    %swap3A_70 = tpu.vector_load %arg4[%swap3A_68, %swap3A_69] {strides = array<i32>} : memref<506x128xf32, #tpu.memory_space<vmem>>, vector<1x16xf32>,
    %swap3A_71 = vector.shape_cast %swap3A_70 : vector<1x16xf32> to vector<16xf32>
    %swap3A_72 = vector.shape_cast %broadcast_in_dim3A_1 : vector<16xf32> to vector<1x16xf32>
    tpu.vector_store %arg4[%swap3A_68, %swap3A_69], %swap3A_72 {strides = array<i32>} : memref<506x128xf32, #tpu.memory_space<vmem>>, vector<1x16xf32>,
    %swap3A_73 = arith.constant 1 : i32
    %swap3A_74 = arith.index_cast %swap3A_73 : i32 to index
    %swap3A_75 = arith.constant 64 : index
    %swap3A_76 = tpu.vector_load %arg4[%swap3A_74, %swap3A_75] {strides = array<i32>} : memref<506x128xf32, #tpu.memory_space<vmem>>, vector<1x16xf32>,
    %swap3A_77 = vector.shape_cast %swap3A_76 : vector<1x16xf32> to vector<16xf32>
    %swap3A_78 = vector.shape_cast %broadcast_in_dim3A_1 : vector<16xf32> to vector<1x16xf32>
    tpu.vector_store %arg4[%swap3A_74, %swap3A_75], %swap3A_78 {strides = array<i32>} : memref<506x128xf32, #tpu.memory_space<vmem>>, vector<1x16xf32>,
    %swap3A_79 = arith.constant 1 : i32
    %swap3A_80 = arith.index_cast %swap3A_79 : i32 to index
    %swap3A_81 = arith.constant 80 : index
    %swap3A_82 = tpu.vector_load %arg4[%swap3A_80, %swap3A_81] {strides = array<i32>} : memref<506x128xf32, #tpu.memory_space<vmem>>, vector<1x16xf32>,
    %swap3A_83 = vector.shape_cast %swap3A_82 : vector<1x16xf32> to vector<16xf32>
    %swap3A_84 = vector.shape_cast %broadcast_in_dim3A_1 : vector<16xf32> to vector<1x16xf32>
    tpu.vector_store %arg4[%swap3A_80, %swap3A_81], %swap3A_84 {strides = array<i32>} : memref<506x128xf32, #tpu.memory_space<vmem>>, vector<1x16xf32>,
    %swap3A_85 = arith.constant 1 : i32
    %swap3A_86 = arith.index_cast %swap3A_85 : i32 to index
    %swap3A_87 = arith.constant 96 : index
    %swap3A_88 = tpu.vector_load %arg4[%swap3A_86, %swap3A_87] {strides = array<i32>} : memref<506x128xf32, #tpu.memory_space<vmem>>, vector<1x16xf32>,
    %swap3A_89 = vector.shape_cast %swap3A_88 : vector<1x16xf32> to vector<16xf32>
    %swap3A_90 = vector.shape_cast %broadcast_in_dim3A_1 : vector<16xf32> to vector<1x16xf32>
    tpu.vector_store %arg4[%swap3A_86, %swap3A_87], %swap3A_90 {strides = array<i32>} : memref<506x128xf32, #tpu.memory_space<vmem>>, vector<1x16xf32>,
    %swap3A_91 = arith.constant 1 : i32
    %swap3A_92 = arith.index_cast %swap3A_91 : i32 to index
    %swap3A_93 = arith.constant 112 : index
    %swap3A_94 = tpu.vector_load %arg4[%swap3A_92, %swap3A_93] {strides = array<i32>} : memref<506x128xf32, #tpu.memory_space<vmem>>, vector<1x16xf32>,
    %swap3A_95 = vector.shape_cast %swap3A_94 : vector<1x16xf32> to vector<16xf32>
    %swap3A_96 = vector.shape_cast %broadcast_in_dim3A_1 : vector<16xf32> to vector<1x16xf32>
    tpu.vector_store %arg4[%swap3A_92, %swap3A_93], %swap3A_96 {strides = array<i32>} : memref<506x128xf32, #tpu.memory_space<vmem>>, vector<1x16xf32>,
    %swap3A_97 = arith.constant 2 : i32
    %swap3A_98 = arith.index_cast %swap3A_97 : i32 to index
    %swap3A_99 = arith.constant 0 : index
    %swap3A_100 = tpu.vector_load %arg4[%swap3A_98, %swap3A_99] {strides = array<i32>} : memref<506x128xf32, #tpu.memory_space<vmem>>, vector<1x16xf32>,
    %swap3A_101 = vector.shape_cast %swap3A_100 : vector<1x16xf32> to vector<16xf32>
    %swap3A_102 = vector.shape_cast %broadcast_in_dim3A_1 : vector<16xf32> to vector<1x16xf32>
    tpu.vector_store %arg4[%swap3A_98, %swap3A_99], %swap3A_102 {strides = array<i32>} : memref<506x128xf32, #tpu.memory_space<vmem>>, vector<1x16xf32>,
    %swap3A_103 = arith.constant 2 : i32
    %swap3A_104 = arith.index_cast %swap3A_103 : i32 to index
    %swap3A_105 = arith.constant 16 : index
    %swap3A_106 = tpu.vector_load %arg4[%swap3A_104, %swap3A_105] {strides = array<i32>} : memref<506x128xf32, #tpu.memory_space<vmem>>, vector<1x16xf32>,
    %swap3A_107 = vector.shape_cast %swap3A_106 : vector<1x16xf32> to vector<16xf32>
    %swap3A_108 = vector.shape_cast %broadcast_in_dim3A_1 : vector<16xf32> to vector<1x16xf32>
    tpu.vector_store %arg4[%swap3A_104, %swap3A_105], %swap3A_108 {strides = array<i32>} : memref<506x128xf32, #tpu.memory_space<vmem>>, vector<1x16xf32>,
    %swap3A_109 = arith.constant 2 : i32
    %swap3A_110 = arith.index_cast %swap3A_109 : i32 to index
    %swap3A_111 = arith.constant 32 : index
    %swap3A_112 = tpu.vector_load %arg4[%swap3A_110, %swap3A_111] {strides = array<i32>} : memref<506x128xf32, #tpu.memory_space<vmem>>, vector<1x16xf32>,
    %swap3A_113 = vector.shape_cast %swap3A_112 : vector<1x16xf32> to vector<16xf32>
    %swap3A_114 = vector.shape_cast %broadcast_in_dim3A_1 : vector<16xf32> to vector<1x16xf32>
    tpu.vector_store %arg4[%swap3A_110, %swap3A_111], %swap3A_114 {strides = array<i32>} : memref<506x128xf32, #tpu.memory_space<vmem>>, vector<1x16xf32>,
    %swap3A_115 = arith.constant 2 : i32
    %swap3A_116 = arith.index_cast %swap3A_115 : i32 to index
    %swap3A_117 = arith.constant 48 : index
    %swap3A_118 = tpu.vector_load %arg4[%swap3A_116, %swap3A_117] {strides = array<i32>} : memref<506x128xf32, #tpu.memory_space<vmem>>, vector<1x16xf32>,
    %swap3A_119 = vector.shape_cast %swap3A_118 : vector<1x16xf32> to vector<16xf32>
    %swap3A_120 = vector.shape_cast %broadcast_in_dim3A_1 : vector<16xf32> to vector<1x16xf32>
    tpu.vector_store %arg4[%swap3A_116, %swap3A_117], %swap3A_120 {strides = array<i32>} : memref<506x128xf32, #tpu.memory_space<vmem>>, vector<1x16xf32>,
    %swap3A_121 = arith.constant 2 : i32
    %swap3A_122 = arith.index_cast %swap3A_121 : i32 to index
    %swap3A_123 = arith.constant 64 : index
    %swap3A_124 = tpu.vector_load %arg4[%swap3A_122, %swap3A_123] {strides = array<i32>} : memref<506x128xf32, #tpu.memory_space<vmem>>, vector<1x16xf32>,
    %swap3A_125 = vector.shape_cast %swap3A_124 : vector<1x16xf32> to vector<16xf32>
    %swap3A_126 = vector.shape_cast %broadcast_in_dim3A_1 : vector<16xf32> to vector<1x16xf32>
    tpu.vector_store %arg4[%swap3A_122, %swap3A_123], %swap3A_126 {strides = array<i32>} : memref<506x128xf32, #tpu.memory_space<vmem>>, vector<1x16xf32>,
    %swap3A_127 = arith.constant 2 : i32
    %swap3A_128 = arith.index_cast %swap3A_127 : i32 to index
    %swap3A_129 = arith.constant 80 : index
    %swap3A_130 = tpu.vector_load %arg4[%swap3A_128, %swap3A_129] {strides = array<i32>} : memref<506x128xf32, #tpu.memory_space<vmem>>, vector<1x16xf32>,
    %swap3A_131 = vector.shape_cast %swap3A_130 : vector<1x16xf32> to vector<16xf32>
    %swap3A_132 = vector.shape_cast %broadcast_in_dim3A_1 : vector<16xf32> to vector<1x16xf32>
    tpu.vector_store %arg4[%swap3A_128, %swap3A_129], %swap3A_132 {strides = array<i32>} : memref<506x128xf32, #tpu.memory_space<vmem>>, vector<1x16xf32>,
    %swap3A_133 = arith.constant 2 : i32
    %swap3A_134 = arith.index_cast %swap3A_133 : i32 to index
    %swap3A_135 = arith.constant 96 : index
    %swap3A_136 = tpu.vector_load %arg4[%swap3A_134, %swap3A_135] {strides = array<i32>} : memref<506x128xf32, #tpu.memory_space<vmem>>, vector<1x16xf32>,
    %swap3A_137 = vector.shape_cast %swap3A_136 : vector<1x16xf32> to vector<16xf32>
    %swap3A_138 = vector.shape_cast %broadcast_in_dim3A_1 : vector<16xf32> to vector<1x16xf32>
    tpu.vector_store %arg4[%swap3A_134, %swap3A_135], %swap3A_138 {strides = array<i32>} : memref<506x128xf32, #tpu.memory_space<vmem>>, vector<1x16xf32>,
    %swap3A_139 = arith.constant 2 : i32
    %swap3A_140 = arith.index_cast %swap3A_139 : i32 to index
    %swap3A_141 = arith.constant 112 : index
    %swap3A_142 = tpu.vector_load %arg4[%swap3A_140, %swap3A_141] {strides = array<i32>} : memref<506x128xf32, #tpu.memory_space<vmem>>, vector<1x16xf32>,
    %swap3A_143 = vector.shape_cast %swap3A_142 : vector<1x16xf32> to vector<16xf32>
    %swap3A_144 = vector.shape_cast %broadcast_in_dim3A_1 : vector<16xf32> to vector<1x16xf32>
    tpu.vector_store %arg4[%swap3A_140, %swap3A_141], %swap3A_144 {strides = array<i32>} : memref<506x128xf32, #tpu.memory_space<vmem>>, vector<1x16xf32>,
    %swap3A_145 = arith.constant 3 : i32
    %swap3A_146 = arith.index_cast %swap3A_145 : i32 to index
    %swap3A_147 = arith.constant 0 : index
    %swap3A_148 = tpu.vector_load %arg4[%swap3A_146, %swap3A_147] {strides = array<i32>} : memref<506x128xf32, #tpu.memory_space<vmem>>, vector<1x16xf32>,
    %swap3A_149 = vector.shape_cast %swap3A_148 : vector<1x16xf32> to vector<16xf32>
    %swap3A_150 = vector.shape_cast %broadcast_in_dim3A_1 : vector<16xf32> to vector<1x16xf32>
    tpu.vector_store %arg4[%swap3A_146, %swap3A_147], %swap3A_150 {strides = array<i32>} : memref<506x128xf32, #tpu.memory_space<vmem>>, vector<1x16xf32>,
    %swap3A_151 = arith.constant 3 : i32
    %swap3A_152 = arith.index_cast %swap3A_151 : i32 to index
    %swap3A_153 = arith.constant 16 : index
    %swap3A_154 = tpu.vector_load %arg4[%swap3A_152, %swap3A_153] {strides = array<i32>} : memref<506x128xf32, #tpu.memory_space<vmem>>, vector<1x16xf32>,
    %swap3A_155 = vector.shape_cast %swap3A_154 : vector<1x16xf32> to vector<16xf32>
    %swap3A_156 = vector.shape_cast %broadcast_in_dim3A_1 : vector<16xf32> to vector<1x16xf32>
    tpu.vector_store %arg4[%swap3A_152, %swap3A_153], %swap3A_156 {strides = array<i32>} : memref<506x128xf32, #tpu.memory_space<vmem>>, vector<1x16xf32>,
    %swap3A_157 = arith.constant 3 : i32
    %swap3A_158 = arith.index_cast %swap3A_157 : i32 to index
    %swap3A_159 = arith.constant 32 : index
    %swap3A_160 = tpu.vector_load %arg4[%swap3A_158, %swap3A_159] {strides = array<i32>} : memref<506x128xf32, #tpu.memory_space<vmem>>, vector<1x16xf32>,
    %swap3A_161 = vector.shape_cast %swap3A_160 : vector<1x16xf32> to vector<16xf32>
    %swap3A_162 = vector.shape_cast %broadcast_in_dim3A_1 : vector<16xf32> to vector<1x16xf32>
    tpu.vector_store %arg4[%swap3A_158, %swap3A_159], %swap3A_162 {strides = array<i32>} : memref<506x128xf32, #tpu.memory_space<vmem>>, vector<1x16xf32>,
    %swap3A_163 = arith.constant 3 : i32
    %swap3A_164 = arith.index_cast %swap3A_163 : i32 to index
    %swap3A_165 = arith.constant 48 : index
    %swap3A_166 = tpu.vector_load %arg4[%swap3A_164, %swap3A_165] {strides = array<i32>} : memref<506x128xf32, #tpu.memory_space<vmem>>, vector<1x16xf32>,
    %swap3A_167 = vector.shape_cast %swap3A_166 : vector<1x16xf32> to vector<16xf32>
    %swap3A_168 = vector.shape_cast %broadcast_in_dim3A_1 : vector<16xf32> to vector<1x16xf32>
    tpu.vector_store %arg4[%swap3A_164, %swap3A_165], %swap3A_168 {strides = array<i32>} : memref<506x128xf32, #tpu.memory_space<vmem>>, vector<1x16xf32>,
    %swap3A_169 = arith.constant 3 : i32
    %swap3A_170 = arith.index_cast %swap3A_169 : i32 to index
    %swap3A_171 = arith.constant 64 : index
    %swap3A_172 = tpu.vector_load %arg4[%swap3A_170, %swap3A_171] {strides = array<i32>} : memref<506x128xf32, #tpu.memory_space<vmem>>, vector<1x16xf32>,
    %swap3A_173 = vector.shape_cast %swap3A_172 : vector<1x16xf32> to vector<16xf32>
    %swap3A_174 = vector.shape_cast %broadcast_in_dim3A_1 : vector<16xf32> to vector<1x16xf32>
    tpu.vector_store %arg4[%swap3A_170, %swap3A_171], %swap3A_174 {strides = array<i32>} : memref<506x128xf32, #tpu.memory_space<vmem>>, vector<1x16xf32>,
    %swap3A_175 = arith.constant 3 : i32
    %swap3A_176 = arith.index_cast %swap3A_175 : i32 to index
    %swap3A_177 = arith.constant 80 : index
    %swap3A_178 = tpu.vector_load %arg4[%swap3A_176, %swap3A_177] {strides = array<i32>} : memref<506x128xf32, #tpu.memory_space<vmem>>, vector<1x16xf32>,
    %swap3A_179 = vector.shape_cast %swap3A_178 : vector<1x16xf32> to vector<16xf32>
    %swap3A_180 = vector.shape_cast %broadcast_in_dim3A_1 : vector<16xf32> to vector<1x16xf32>
    tpu.vector_store %arg4[%swap3A_176, %swap3A_177], %swap3A_180 {strides = array<i32>} : memref<506x128xf32, #tpu.memory_space<vmem>>, vector<1x16xf32>,
    %swap3A_181 = arith.constant 3 : i32
    %swap3A_182 = arith.index_cast %swap3A_181 : i32 to index
    %swap3A_183 = arith.constant 96 : index
    %swap3A_184 = tpu.vector_load %arg4[%swap3A_182, %swap3A_183] {strides = array<i32>} : memref<506x128xf32, #tpu.memory_space<vmem>>, vector<1x16xf32>,
    %swap3A_185 = vector.shape_cast %swap3A_184 : vector<1x16xf32> to vector<16xf32>
    %swap3A_186 = vector.shape_cast %broadcast_in_dim3A_1 : vector<16xf32> to vector<1x16xf32>
    tpu.vector_store %arg4[%swap3A_182, %swap3A_183], %swap3A_186 {strides = array<i32>} : memref<506x128xf32, #tpu.memory_space<vmem>>, vector<1x16xf32>,
    %swap3A_187 = arith.constant 3 : i32
    %swap3A_188 = arith.index_cast %swap3A_187 : i32 to index
    %swap3A_189 = arith.constant 112 : index
    %swap3A_190 = tpu.vector_load %arg4[%swap3A_188, %swap3A_189] {strides = array<i32>} : memref<506x128xf32, #tpu.memory_space<vmem>>, vector<1x16xf32>,
    %swap3A_191 = vector.shape_cast %swap3A_190 : vector<1x16xf32> to vector<16xf32>
    %swap3A_192 = vector.shape_cast %broadcast_in_dim3A_1 : vector<16xf32> to vector<1x16xf32>
    tpu.vector_store %arg4[%swap3A_188, %swap3A_189], %swap3A_192 {strides = array<i32>} : memref<506x128xf32, #tpu.memory_space<vmem>>, vector<1x16xf32>,
    %swap3A_193 = arith.constant 4 : i32
    %swap3A_194 = arith.index_cast %swap3A_193 : i32 to index
    %swap3A_195 = arith.constant 0 : index
    %swap3A_196 = tpu.vector_load %arg4[%swap3A_194, %swap3A_195] {strides = array<i32>} : memref<506x128xf32, #tpu.memory_space<vmem>>, vector<1x16xf32>,
    %swap3A_197 = vector.shape_cast %swap3A_196 : vector<1x16xf32> to vector<16xf32>
    %swap3A_198 = vector.shape_cast %broadcast_in_dim3A_1 : vector<16xf32> to vector<1x16xf32>
    tpu.vector_store %arg4[%swap3A_194, %swap3A_195], %swap3A_198 {strides = array<i32>} : memref<506x128xf32, #tpu.memory_space<vmem>>, vector<1x16xf32>,
    %swap3A_199 = arith.constant 4 : i32
    %swap3A_200 = arith.index_cast %swap3A_199 : i32 to index
    %swap3A_201 = arith.constant 16 : index
    %swap3A_202 = tpu.vector_load %arg4[%swap3A_200, %swap3A_201] {strides = array<i32>} : memref<506x128xf32, #tpu.memory_space<vmem>>, vector<1x16xf32>,
    %swap3A_203 = vector.shape_cast %swap3A_202 : vector<1x16xf32> to vector<16xf32>
    %swap3A_204 = vector.shape_cast %broadcast_in_dim3A_1 : vector<16xf32> to vector<1x16xf32>
    tpu.vector_store %arg4[%swap3A_200, %swap3A_201], %swap3A_204 {strides = array<i32>} : memref<506x128xf32, #tpu.memory_space<vmem>>, vector<1x16xf32>,
    %swap3A_205 = arith.constant 4 : i32
    %swap3A_206 = arith.index_cast %swap3A_205 : i32 to index
    %swap3A_207 = arith.constant 32 : index
    %swap3A_208 = tpu.vector_load %arg4[%swap3A_206, %swap3A_207] {strides = array<i32>} : memref<506x128xf32, #tpu.memory_space<vmem>>, vector<1x16xf32>,
    %swap3A_209 = vector.shape_cast %swap3A_208 : vector<1x16xf32> to vector<16xf32>
    %swap3A_210 = vector.shape_cast %broadcast_in_dim3A_1 : vector<16xf32> to vector<1x16xf32>
    tpu.vector_store %arg4[%swap3A_206, %swap3A_207], %swap3A_210 {strides = array<i32>} : memref<506x128xf32, #tpu.memory_space<vmem>>, vector<1x16xf32>,
    %swap3A_211 = arith.constant 4 : i32
    %swap3A_212 = arith.index_cast %swap3A_211 : i32 to index
    %swap3A_213 = arith.constant 48 : index
    %swap3A_214 = tpu.vector_load %arg4[%swap3A_212, %swap3A_213] {strides = array<i32>} : memref<506x128xf32, #tpu.memory_space<vmem>>, vector<1x16xf32>,
    %swap3A_215 = vector.shape_cast %swap3A_214 : vector<1x16xf32> to vector<16xf32>
    %swap3A_216 = vector.shape_cast %broadcast_in_dim3A_1 : vector<16xf32> to vector<1x16xf32>
    tpu.vector_store %arg4[%swap3A_212, %swap3A_213], %swap3A_216 {strides = array<i32>} : memref<506x128xf32, #tpu.memory_space<vmem>>, vector<1x16xf32>,
    %swap3A_217 = arith.constant 4 : i32
    %swap3A_218 = arith.index_cast %swap3A_217 : i32 to index
    %swap3A_219 = arith.constant 64 : index
    %swap3A_220 = tpu.vector_load %arg4[%swap3A_218, %swap3A_219] {strides = array<i32>} : memref<506x128xf32, #tpu.memory_space<vmem>>, vector<1x16xf32>,
    %swap3A_221 = vector.shape_cast %swap3A_220 : vector<1x16xf32> to vector<16xf32>
    %swap3A_222 = vector.shape_cast %broadcast_in_dim3A_1 : vector<16xf32> to vector<1x16xf32>
    tpu.vector_store %arg4[%swap3A_218, %swap3A_219], %swap3A_222 {strides = array<i32>} : memref<506x128xf32, #tpu.memory_space<vmem>>, vector<1x16xf32>,
    %swap3A_223 = arith.constant 4 : i32
    %swap3A_224 = arith.index_cast %swap3A_223 : i32 to index
    %swap3A_225 = arith.constant 80 : index
    %swap3A_226 = tpu.vector_load %arg4[%swap3A_224, %swap3A_225] {strides = array<i32>} : memref<506x128xf32, #tpu.memory_space<vmem>>, vector<1x16xf32>,
    %swap3A_227 = vector.shape_cast %swap3A_226 : vector<1x16xf32> to vector<16xf32>
    %swap3A_228 = vector.shape_cast %broadcast_in_dim3A_1 : vector<16xf32> to vector<1x16xf32>
    tpu.vector_store %arg4[%swap3A_224, %swap3A_225], %swap3A_228 {strides = array<i32>} : memref<506x128xf32, #tpu.memory_space<vmem>>, vector<1x16xf32>,
    %swap3A_229 = arith.constant 4 : i32
    %swap3A_230 = arith.index_cast %swap3A_229 : i32 to index
    %swap3A_231 = arith.constant 96 : index
    %swap3A_232 = tpu.vector_load %arg4[%swap3A_230, %swap3A_231] {strides = array<i32>} : memref<506x128xf32, #tpu.memory_space<vmem>>, vector<1x16xf32>,
    %swap3A_233 = vector.shape_cast %swap3A_232 : vector<1x16xf32> to vector<16xf32>
    %swap3A_234 = vector.shape_cast %broadcast_in_dim3A_1 : vector<16xf32> to vector<1x16xf32>
    tpu.vector_store %arg4[%swap3A_230, %swap3A_231], %swap3A_234 {strides = array<i32>} : memref<506x128xf32, #tpu.memory_space<vmem>>, vector<1x16xf32>,
    %swap3A_235 = arith.constant 4 : i32
    %swap3A_236 = arith.index_cast %swap3A_235 : i32 to index
    %swap3A_237 = arith.constant 112 : index
    %swap3A_238 = tpu.vector_load %arg4[%swap3A_236, %swap3A_237] {strides = array<i32>} : memref<506x128xf32, #tpu.memory_space<vmem>>, vector<1x16xf32>,
    %swap3A_239 = vector.shape_cast %swap3A_238 : vector<1x16xf32> to vector<16xf32>
    %swap3A_240 = vector.shape_cast %broadcast_in_dim3A_1 : vector<16xf32> to vector<1x16xf32>
    tpu.vector_store %arg4[%swap3A_236, %swap3A_237], %swap3A_240 {strides = array<i32>} : memref<506x128xf32, #tpu.memory_space<vmem>>, vector<1x16xf32>,
    %swap3A_241 = arith.constant 5 : i32
    %swap3A_242 = arith.index_cast %swap3A_241 : i32 to index
    %swap3A_243 = arith.constant 0 : index
    %swap3A_244 = tpu.vector_load %arg4[%swap3A_242, %swap3A_243] {strides = array<i32>} : memref<506x128xf32, #tpu.memory_space<vmem>>, vector<1x16xf32>,
    %swap3A_245 = vector.shape_cast %swap3A_244 : vector<1x16xf32> to vector<16xf32>
    %swap3A_246 = vector.shape_cast %broadcast_in_dim3A_1 : vector<16xf32> to vector<1x16xf32>
    tpu.vector_store %arg4[%swap3A_242, %swap3A_243], %swap3A_246 {strides = array<i32>} : memref<506x128xf32, #tpu.memory_space<vmem>>, vector<1x16xf32>,
    %swap3A_247 = arith.constant 5 : i32
    %swap3A_248 = arith.index_cast %swap3A_247 : i32 to index
    %swap3A_249 = arith.constant 16 : index
    %swap3A_250 = tpu.vector_load %arg4[%swap3A_248, %swap3A_249] {strides = array<i32>} : memref<506x128xf32, #tpu.memory_space<vmem>>, vector<1x16xf32>,
    %swap3A_251 = vector.shape_cast %swap3A_250 : vector<1x16xf32> to vector<16xf32>
    %swap3A_252 = vector.shape_cast %broadcast_in_dim3A_1 : vector<16xf32> to vector<1x16xf32>
    tpu.vector_store %arg4[%swap3A_248, %swap3A_249], %swap3A_252 {strides = array<i32>} : memref<506x128xf32, #tpu.memory_space<vmem>>, vector<1x16xf32>,
    %swap3A_253 = arith.constant 5 : i32
    %swap3A_254 = arith.index_cast %swap3A_253 : i32 to index
    %swap3A_255 = arith.constant 32 : index
    %swap3A_256 = tpu.vector_load %arg4[%swap3A_254, %swap3A_255] {strides = array<i32>} : memref<506x128xf32, #tpu.memory_space<vmem>>, vector<1x16xf32>,
    %swap3A_257 = vector.shape_cast %swap3A_256 : vector<1x16xf32> to vector<16xf32>
    %swap3A_258 = vector.shape_cast %broadcast_in_dim3A_1 : vector<16xf32> to vector<1x16xf32>
    tpu.vector_store %arg4[%swap3A_254, %swap3A_255], %swap3A_258 {strides = array<i32>} : memref<506x128xf32, #tpu.memory_space<vmem>>, vector<1x16xf32>,
    %swap3A_259 = arith.constant 5 : i32
    %swap3A_260 = arith.index_cast %swap3A_259 : i32 to index
    %swap3A_261 = arith.constant 48 : index
    %swap3A_262 = tpu.vector_load %arg4[%swap3A_260, %swap3A_261] {strides = array<i32>} : memref<506x128xf32, #tpu.memory_space<vmem>>, vector<1x16xf32>,
    %swap3A_263 = vector.shape_cast %swap3A_262 : vector<1x16xf32> to vector<16xf32>
    %swap3A_264 = vector.shape_cast %broadcast_in_dim3A_1 : vector<16xf32> to vector<1x16xf32>
    tpu.vector_store %arg4[%swap3A_260, %swap3A_261], %swap3A_264 {strides = array<i32>} : memref<506x128xf32, #tpu.memory_space<vmem>>, vector<1x16xf32>,
    %swap3A_265 = arith.constant 5 : i32
    %swap3A_266 = arith.index_cast %swap3A_265 : i32 to index
    %swap3A_267 = arith.constant 64 : index
    %swap3A_268 = tpu.vector_load %arg4[%swap3A_266, %swap3A_267] {strides = array<i32>} : memref<506x128xf32, #tpu.memory_space<vmem>>, vector<1x16xf32>,
    %swap3A_269 = vector.shape_cast %swap3A_268 : vector<1x16xf32> to vector<16xf32>
    %swap3A_270 = vector.shape_cast %broadcast_in_dim3A_1 : vector<16xf32> to vector<1x16xf32>
    tpu.vector_store %arg4[%swap3A_266, %swap3A_267], %swap3A_270 {strides = array<i32>} : memref<506x128xf32, #tpu.memory_space<vmem>>, vector<1x16xf32>,
    %swap3A_271 = arith.constant 5 : i32
    %swap3A_272 = arith.index_cast %swap3A_271 : i32 to index
    %swap3A_273 = arith.constant 80 : index
    %swap3A_274 = tpu.vector_load %arg4[%swap3A_272, %swap3A_273] {strides = array<i32>} : memref<506x128xf32, #tpu.memory_space<vmem>>, vector<1x16xf32>,
    %swap3A_275 = vector.shape_cast %swap3A_274 : vector<1x16xf32> to vector<16xf32>
    %swap3A_276 = vector.shape_cast %broadcast_in_dim3A_1 : vector<16xf32> to vector<1x16xf32>
    tpu.vector_store %arg4[%swap3A_272, %swap3A_273], %swap3A_276 {strides = array<i32>} : memref<506x128xf32, #tpu.memory_space<vmem>>, vector<1x16xf32>,
    %swap3A_277 = arith.constant 5 : i32
    %swap3A_278 = arith.index_cast %swap3A_277 : i32 to index
    %swap3A_279 = arith.constant 96 : index
    %swap3A_280 = tpu.vector_load %arg4[%swap3A_278, %swap3A_279] {strides = array<i32>} : memref<506x128xf32, #tpu.memory_space<vmem>>, vector<1x16xf32>,
    %swap3A_281 = vector.shape_cast %swap3A_280 : vector<1x16xf32> to vector<16xf32>
    %swap3A_282 = vector.shape_cast %broadcast_in_dim3A_1 : vector<16xf32> to vector<1x16xf32>
    tpu.vector_store %arg4[%swap3A_278, %swap3A_279], %swap3A_282 {strides = array<i32>} : memref<506x128xf32, #tpu.memory_space<vmem>>, vector<1x16xf32>,
    %swap3A_283 = arith.constant 5 : i32
    %swap3A_284 = arith.index_cast %swap3A_283 : i32 to index
    %swap3A_285 = arith.constant 112 : index
    %swap3A_286 = tpu.vector_load %arg4[%swap3A_284, %swap3A_285] {strides = array<i32>} : memref<506x128xf32, #tpu.memory_space<vmem>>, vector<1x16xf32>,
    %swap3A_287 = vector.shape_cast %swap3A_286 : vector<1x16xf32> to vector<16xf32>
    %swap3A_288 = vector.shape_cast %broadcast_in_dim3A_1 : vector<16xf32> to vector<1x16xf32>
    tpu.vector_store %arg4[%swap3A_284, %swap3A_285], %swap3A_288 {strides = array<i32>} : memref<506x128xf32, #tpu.memory_space<vmem>>, vector<1x16xf32>,
    %dma_start3A = arith.constant 6 : i32
    %dma_start3A_289 = arith.constant 0 : i32
    %dma_start3A_290 = tpu.memref_slice %arg4[%dma_start3A, %dma_start3A_289] : memref<506x128xf32, #tpu.memory_space<vmem>> -> memref<500x128xf32, #tpu.memory_space<vmem>>
    %dma_start3A_291 = arith.constant 0 : i32
    %dma_start3A_292 = arith.constant 0 : i32
    %dma_start3A_293 = tpu.memref_slice %arg2[%add3A, %dma_start3A_291, %dma_start3A_292] : memref<32x2000x128xf32, #tpu.memory_space<hbm>> -> memref<1x500x128xf32, #tpu.memory_space<hbm>>
    %dma_start3A_294 = tpu.memref_squeeze %dma_start3A_293 : memref<1x500x128xf32, #tpu.memory_space<hbm>> -> memref<500x128xf32, #tpu.memory_space<hbm>>
    %dma_start3A_295 = arith.constant 6 : i32
    %dma_start3A_296 = arith.constant 0 : i32
    %dma_start3A_297 = tpu.memref_slice %arg4[%dma_start3A_295, %dma_start3A_296] : memref<506x128xf32, #tpu.memory_space<vmem>> -> memref<500x128xf32, #tpu.memory_space<vmem>>
    %dma_start3A_298 = arith.constant 0 : i32
    %dma_start3A_299 = arith.constant 0 : i32
    %dma_start3A_300 = tpu.memref_slice %arg2[%add3A, %dma_start3A_298, %dma_start3A_299] : memref<32x2000x128xf32, #tpu.memory_space<hbm>> -> memref<1x500x128xf32, #tpu.memory_space<hbm>>
    %dma_start3A_301 = tpu.memref_squeeze %dma_start3A_300 : memref<1x500x128xf32, #tpu.memory_space<hbm>> -> memref<500x128xf32, #tpu.memory_space<hbm>>
    tpu.enqueue_dma source(%dma_start3A_301 : memref<500x128xf32, #tpu.memory_space<hbm>>) target(%dma_start3A_297 : memref<500x128xf32, #tpu.memory_space<vmem>>) target_semaphore(%arg6 : memref<!tpu.dma_semaphore, #tpu.memory_space<semaphore_mem>>)
    %dma_wait3A = arith.constant 6 : i32
    %dma_wait3A_302 = arith.constant 0 : i32
    %dma_wait3A_303 = tpu.memref_slice %arg4[%dma_wait3A, %dma_wait3A_302] : memref<506x128xf32, #tpu.memory_space<vmem>> -> memref<500x128xf32, #tpu.memory_space<vmem>>
    %dma_wait3A_304 = arith.constant 0 : i32
    %dma_wait3A_305 = arith.constant 0 : i32
    %dma_wait3A_306 = tpu.memref_slice %arg2[%add3A, %dma_wait3A_304, %dma_wait3A_305] : memref<32x2000x128xf32, #tpu.memory_space<hbm>> -> memref<1x500x128xf32, #tpu.memory_space<hbm>>
    %dma_wait3A_307 = tpu.memref_squeeze %dma_wait3A_306 : memref<1x500x128xf32, #tpu.memory_space<hbm>> -> memref<500x128xf32, #tpu.memory_space<hbm>>
    %dma_wait3A_308 = arith.constant 6 : i32
    %dma_wait3A_309 = arith.constant 0 : i32
    %dma_wait3A_310 = tpu.memref_slice %arg4[%dma_wait3A_308, %dma_wait3A_309] : memref<506x128xf32, #tpu.memory_space<vmem>> -> memref<500x128xf32, #tpu.memory_space<vmem>>
    %dma_wait3A_311 = arith.constant 0 : i32
    %dma_wait3A_312 = arith.constant 0 : i32
    %dma_wait3A_313 = tpu.memref_slice %arg2[%add3A, %dma_wait3A_311, %dma_wait3A_312] : memref<32x2000x128xf32, #tpu.memory_space<hbm>> -> memref<1x500x128xf32, #tpu.memory_space<hbm>>
    %dma_wait3A_314 = tpu.memref_squeeze %dma_wait3A_313 : memref<1x500x128xf32, #tpu.memory_space<hbm>> -> memref<500x128xf32, #tpu.memory_space<hbm>>
    tpu.wait_dma2 semaphore(%arg6 : memref<!tpu.dma_semaphore, #tpu.memory_space<semaphore_mem>>) src(%dma_wait3A_314 : memref<500x128xf32, #tpu.memory_space<hbm>>) dst(%dma_wait3A_310 : memref<500x128xf32, #tpu.memory_space<vmem>>)
    %dma_start3A_315 = arith.constant 494 : i32
    %dma_start3A_316 = arith.constant 0 : i32
    %dma_start3A_317 = tpu.memref_slice %arg2[%add3A, %dma_start3A_315, %dma_start3A_316] : memref<32x2000x128xf32, #tpu.memory_space<hbm>> -> memref<1x506x128xf32, #tpu.memory_space<hbm>>
    %dma_start3A_318 = tpu.memref_squeeze %dma_start3A_317 : memref<1x506x128xf32, #tpu.memory_space<hbm>> -> memref<506x128xf32, #tpu.memory_space<hbm>>
    %dma_start3A_319 = arith.constant 494 : i32
    %dma_start3A_320 = arith.constant 0 : i32
    %dma_start3A_321 = tpu.memref_slice %arg2[%add3A, %dma_start3A_319, %dma_start3A_320] : memref<32x2000x128xf32, #tpu.memory_space<hbm>> -> memref<1x506x128xf32, #tpu.memory_space<hbm>>
    %dma_start3A_322 = tpu.memref_squeeze %dma_start3A_321 : memref<1x506x128xf32, #tpu.memory_space<hbm>> -> memref<506x128xf32, #tpu.memory_space<hbm>>
    tpu.enqueue_dma source(%dma_start3A_322 : memref<506x128xf32, #tpu.memory_space<hbm>>) target(%arg5 : memref<506x128xf32, #tpu.memory_space<vmem>>) target_semaphore(%arg6 : memref<!tpu.dma_semaphore, #tpu.memory_space<semaphore_mem>>)
    %dma_start3A_323 = arith.constant 0 : i32
    %dma_start3A_324 = arith.constant 0 : i32
    %dma_start3A_325 = arith.constant 0 : i32
    %dma_start3A_326 = tpu.memref_slice %arg4[%dma_start3A_324, %dma_start3A_325] : memref<506x128xf32, #tpu.memory_space<vmem>> -> memref<500x128xf32, #tpu.memory_space<vmem>>
    %dma_start3A_327 = arith.constant 0 : i32
    %dma_start3A_328 = arith.constant 0 : i32
    %dma_start3A_329 = tpu.memref_slice %arg3[%add3A, %dma_start3A_323, %dma_start3A_327, %dma_start3A_328] : memref<32x7x2000x128xf32, #tpu.memory_space<hbm>> -> memref<1x1x500x128xf32, #tpu.memory_space<hbm>>
    %dma_start3A_330 = tpu.memref_squeeze %dma_start3A_329 : memref<1x1x500x128xf32, #tpu.memory_space<hbm>> -> memref<500x128xf32, #tpu.memory_space<hbm>>
    %dma_start3A_331 = arith.constant 0 : i32
    %dma_start3A_332 = arith.constant 0 : i32
    %dma_start3A_333 = tpu.memref_slice %arg3[%add3A, %dma_start3A_323, %dma_start3A_331, %dma_start3A_332] : memref<32x7x2000x128xf32, #tpu.memory_space<hbm>> -> memref<1x1x500x128xf32, #tpu.memory_space<hbm>>
    %dma_start3A_334 = tpu.memref_squeeze %dma_start3A_333 : memref<1x1x500x128xf32, #tpu.memory_space<hbm>> -> memref<500x128xf32, #tpu.memory_space<hbm>>
    %dma_start3A_335 = arith.constant 0 : i32
    %dma_start3A_336 = arith.constant 0 : i32
    %dma_start3A_337 = tpu.memref_slice %arg4[%dma_start3A_335, %dma_start3A_336] : memref<506x128xf32, #tpu.memory_space<vmem>> -> memref<500x128xf32, #tpu.memory_space<vmem>>
    tpu.enqueue_dma source(%dma_start3A_337 : memref<500x128xf32, #tpu.memory_space<vmem>>) target(%dma_start3A_334 : memref<500x128xf32, #tpu.memory_space<hbm>>) target_semaphore(%arg7 : memref<!tpu.dma_semaphore, #tpu.memory_space<semaphore_mem>>)
    %dma_start3A_338 = arith.constant 1 : i32
    %dma_start3A_339 = arith.constant 1 : i32
    %dma_start3A_340 = arith.constant 0 : i32
    %dma_start3A_341 = tpu.memref_slice %arg4[%dma_start3A_339, %dma_start3A_340] : memref<506x128xf32, #tpu.memory_space<vmem>> -> memref<500x128xf32, #tpu.memory_space<vmem>>
    %dma_start3A_342 = arith.constant 0 : i32
    %dma_start3A_343 = arith.constant 0 : i32
    %dma_start3A_344 = tpu.memref_slice %arg3[%add3A, %dma_start3A_338, %dma_start3A_342, %dma_start3A_343] : memref<32x7x2000x128xf32, #tpu.memory_space<hbm>> -> memref<1x1x500x128xf32, #tpu.memory_space<hbm>>
    %dma_start3A_345 = tpu.memref_squeeze %dma_start3A_344 : memref<1x1x500x128xf32, #tpu.memory_space<hbm>> -> memref<500x128xf32, #tpu.memory_space<hbm>>
    %dma_start3A_346 = arith.constant 0 : i32
    %dma_start3A_347 = arith.constant 0 : i32
    %dma_start3A_348 = tpu.memref_slice %arg3[%add3A, %dma_start3A_338, %dma_start3A_346, %dma_start3A_347] : memref<32x7x2000x128xf32, #tpu.memory_space<hbm>> -> memref<1x1x500x128xf32, #tpu.memory_space<hbm>>
    %dma_start3A_349 = tpu.memref_squeeze %dma_start3A_348 : memref<1x1x500x128xf32, #tpu.memory_space<hbm>> -> memref<500x128xf32, #tpu.memory_space<hbm>>
    %dma_start3A_350 = arith.constant 1 : i32
    %dma_start3A_351 = arith.constant 0 : i32
    %dma_start3A_352 = tpu.memref_slice %arg4[%dma_start3A_350, %dma_start3A_351] : memref<506x128xf32, #tpu.memory_space<vmem>> -> memref<500x128xf32, #tpu.memory_space<vmem>>
    tpu.enqueue_dma source(%dma_start3A_352 : memref<500x128xf32, #tpu.memory_space<vmem>>) target(%dma_start3A_349 : memref<500x128xf32, #tpu.memory_space<hbm>>) target_semaphore(%arg7 : memref<!tpu.dma_semaphore, #tpu.memory_space<semaphore_mem>>)
    %dma_start3A_353 = arith.constant 2 : i32
    %dma_start3A_354 = arith.constant 2 : i32
    %dma_start3A_355 = arith.constant 0 : i32
    %dma_start3A_356 = tpu.memref_slice %arg4[%dma_start3A_354, %dma_start3A_355] : memref<506x128xf32, #tpu.memory_space<vmem>> -> memref<500x128xf32, #tpu.memory_space<vmem>>
    %dma_start3A_357 = arith.constant 0 : i32
    %dma_start3A_358 = arith.constant 0 : i32
    %dma_start3A_359 = tpu.memref_slice %arg3[%add3A, %dma_start3A_353, %dma_start3A_357, %dma_start3A_358] : memref<32x7x2000x128xf32, #tpu.memory_space<hbm>> -> memref<1x1x500x128xf32, #tpu.memory_space<hbm>>
    %dma_start3A_360 = tpu.memref_squeeze %dma_start3A_359 : memref<1x1x500x128xf32, #tpu.memory_space<hbm>> -> memref<500x128xf32, #tpu.memory_space<hbm>>
    %dma_start3A_361 = arith.constant 0 : i32
    %dma_start3A_362 = arith.constant 0 : i32
    %dma_start3A_363 = tpu.memref_slice %arg3[%add3A, %dma_start3A_353, %dma_start3A_361, %dma_start3A_362] : memref<32x7x2000x128xf32, #tpu.memory_space<hbm>> -> memref<1x1x500x128xf32, #tpu.memory_space<hbm>>
    %dma_start3A_364 = tpu.memref_squeeze %dma_start3A_363 : memref<1x1x500x128xf32, #tpu.memory_space<hbm>> -> memref<500x128xf32, #tpu.memory_space<hbm>>
    %dma_start3A_365 = arith.constant 2 : i32
    %dma_start3A_366 = arith.constant 0 : i32
    %dma_start3A_367 = tpu.memref_slice %arg4[%dma_start3A_365, %dma_start3A_366] : memref<506x128xf32, #tpu.memory_space<vmem>> -> memref<500x128xf32, #tpu.memory_space<vmem>>
    tpu.enqueue_dma source(%dma_start3A_367 : memref<500x128xf32, #tpu.memory_space<vmem>>) target(%dma_start3A_364 : memref<500x128xf32, #tpu.memory_space<hbm>>) target_semaphore(%arg7 : memref<!tpu.dma_semaphore, #tpu.memory_space<semaphore_mem>>)
    %dma_start3A_368 = arith.constant 3 : i32
    %dma_start3A_369 = arith.constant 3 : i32
    %dma_start3A_370 = arith.constant 0 : i32
    %dma_start3A_371 = tpu.memref_slice %arg4[%dma_start3A_369, %dma_start3A_370] : memref<506x128xf32, #tpu.memory_space<vmem>> -> memref<500x128xf32, #tpu.memory_space<vmem>>
    %dma_start3A_372 = arith.constant 0 : i32
    %dma_start3A_373 = arith.constant 0 : i32
    %dma_start3A_374 = tpu.memref_slice %arg3[%add3A, %dma_start3A_368, %dma_start3A_372, %dma_start3A_373] : memref<32x7x2000x128xf32, #tpu.memory_space<hbm>> -> memref<1x1x500x128xf32, #tpu.memory_space<hbm>>
    %dma_start3A_375 = tpu.memref_squeeze %dma_start3A_374 : memref<1x1x500x128xf32, #tpu.memory_space<hbm>> -> memref<500x128xf32, #tpu.memory_space<hbm>>
    %dma_start3A_376 = arith.constant 0 : i32
    %dma_start3A_377 = arith.constant 0 : i32
    %dma_start3A_378 = tpu.memref_slice %arg3[%add3A, %dma_start3A_368, %dma_start3A_376, %dma_start3A_377] : memref<32x7x2000x128xf32, #tpu.memory_space<hbm>> -> memref<1x1x500x128xf32, #tpu.memory_space<hbm>>
    %dma_start3A_379 = tpu.memref_squeeze %dma_start3A_378 : memref<1x1x500x128xf32, #tpu.memory_space<hbm>> -> memref<500x128xf32, #tpu.memory_space<hbm>>
    %dma_start3A_380 = arith.constant 3 : i32
    %dma_start3A_381 = arith.constant 0 : i32
    %dma_start3A_382 = tpu.memref_slice %arg4[%dma_start3A_380, %dma_start3A_381] : memref<506x128xf32, #tpu.memory_space<vmem>> -> memref<500x128xf32, #tpu.memory_space<vmem>>
    tpu.enqueue_dma source(%dma_start3A_382 : memref<500x128xf32, #tpu.memory_space<vmem>>) target(%dma_start3A_379 : memref<500x128xf32, #tpu.memory_space<hbm>>) target_semaphore(%arg7 : memref<!tpu.dma_semaphore, #tpu.memory_space<semaphore_mem>>)
    %dma_start3A_383 = arith.constant 4 : i32
    %dma_start3A_384 = arith.constant 4 : i32
    %dma_start3A_385 = arith.constant 0 : i32
    %dma_start3A_386 = tpu.memref_slice %arg4[%dma_start3A_384, %dma_start3A_385] : memref<506x128xf32, #tpu.memory_space<vmem>> -> memref<500x128xf32, #tpu.memory_space<vmem>>
    %dma_start3A_387 = arith.constant 0 : i32
    %dma_start3A_388 = arith.constant 0 : i32
    %dma_start3A_389 = tpu.memref_slice %arg3[%add3A, %dma_start3A_383, %dma_start3A_387, %dma_start3A_388] : memref<32x7x2000x128xf32, #tpu.memory_space<hbm>> -> memref<1x1x500x128xf32, #tpu.memory_space<hbm>>
    %dma_start3A_390 = tpu.memref_squeeze %dma_start3A_389 : memref<1x1x500x128xf32, #tpu.memory_space<hbm>> -> memref<500x128xf32, #tpu.memory_space<hbm>>
    %dma_start3A_391 = arith.constant 0 : i32
    %dma_start3A_392 = arith.constant 0 : i32
    %dma_start3A_393 = tpu.memref_slice %arg3[%add3A, %dma_start3A_383, %dma_start3A_391, %dma_start3A_392] : memref<32x7x2000x128xf32, #tpu.memory_space<hbm>> -> memref<1x1x500x128xf32, #tpu.memory_space<hbm>>
    %dma_start3A_394 = tpu.memref_squeeze %dma_start3A_393 : memref<1x1x500x128xf32, #tpu.memory_space<hbm>> -> memref<500x128xf32, #tpu.memory_space<hbm>>
    %dma_start3A_395 = arith.constant 4 : i32
    %dma_start3A_396 = arith.constant 0 : i32
    %dma_start3A_397 = tpu.memref_slice %arg4[%dma_start3A_395, %dma_start3A_396] : memref<506x128xf32, #tpu.memory_space<vmem>> -> memref<500x128xf32, #tpu.memory_space<vmem>>
    tpu.enqueue_dma source(%dma_start3A_397 : memref<500x128xf32, #tpu.memory_space<vmem>>) target(%dma_start3A_394 : memref<500x128xf32, #tpu.memory_space<hbm>>) target_semaphore(%arg7 : memref<!tpu.dma_semaphore, #tpu.memory_space<semaphore_mem>>)
    %dma_start3A_398 = arith.constant 5 : i32
    %dma_start3A_399 = arith.constant 5 : i32
    %dma_start3A_400 = arith.constant 0 : i32
    %dma_start3A_401 = tpu.memref_slice %arg4[%dma_start3A_399, %dma_start3A_400] : memref<506x128xf32, #tpu.memory_space<vmem>> -> memref<500x128xf32, #tpu.memory_space<vmem>>
    %dma_start3A_402 = arith.constant 0 : i32
    %dma_start3A_403 = arith.constant 0 : i32
    %dma_start3A_404 = tpu.memref_slice %arg3[%add3A, %dma_start3A_398, %dma_start3A_402, %dma_start3A_403] : memref<32x7x2000x128xf32, #tpu.memory_space<hbm>> -> memref<1x1x500x128xf32, #tpu.memory_space<hbm>>
    %dma_start3A_405 = tpu.memref_squeeze %dma_start3A_404 : memref<1x1x500x128xf32, #tpu.memory_space<hbm>> -> memref<500x128xf32, #tpu.memory_space<hbm>>
    %dma_start3A_406 = arith.constant 0 : i32
    %dma_start3A_407 = arith.constant 0 : i32
    %dma_start3A_408 = tpu.memref_slice %arg3[%add3A, %dma_start3A_398, %dma_start3A_406, %dma_start3A_407] : memref<32x7x2000x128xf32, #tpu.memory_space<hbm>> -> memref<1x1x500x128xf32, #tpu.memory_space<hbm>>
    %dma_start3A_409 = tpu.memref_squeeze %dma_start3A_408 : memref<1x1x500x128xf32, #tpu.memory_space<hbm>> -> memref<500x128xf32, #tpu.memory_space<hbm>>
    %dma_start3A_410 = arith.constant 5 : i32
    %dma_start3A_411 = arith.constant 0 : i32
    %dma_start3A_412 = tpu.memref_slice %arg4[%dma_start3A_410, %dma_start3A_411] : memref<506x128xf32, #tpu.memory_space<vmem>> -> memref<500x128xf32, #tpu.memory_space<vmem>>
    tpu.enqueue_dma source(%dma_start3A_412 : memref<500x128xf32, #tpu.memory_space<vmem>>) target(%dma_start3A_409 : memref<500x128xf32, #tpu.memory_space<hbm>>) target_semaphore(%arg7 : memref<!tpu.dma_semaphore, #tpu.memory_space<semaphore_mem>>)
    %dma_start3A_413 = arith.constant 6 : i32
    %dma_start3A_414 = arith.constant 6 : i32
    %dma_start3A_415 = arith.constant 0 : i32
    %dma_start3A_416 = tpu.memref_slice %arg4[%dma_start3A_414, %dma_start3A_415] : memref<506x128xf32, #tpu.memory_space<vmem>> -> memref<500x128xf32, #tpu.memory_space<vmem>>
    %dma_start3A_417 = arith.constant 0 : i32
    %dma_start3A_418 = arith.constant 0 : i32
    %dma_start3A_419 = tpu.memref_slice %arg3[%add3A, %dma_start3A_413, %dma_start3A_417, %dma_start3A_418] : memref<32x7x2000x128xf32, #tpu.memory_space<hbm>> -> memref<1x1x500x128xf32, #tpu.memory_space<hbm>>
    %dma_start3A_420 = tpu.memref_squeeze %dma_start3A_419 : memref<1x1x500x128xf32, #tpu.memory_space<hbm>> -> memref<500x128xf32, #tpu.memory_space<hbm>>
    %dma_start3A_421 = arith.constant 0 : i32
    %dma_start3A_422 = arith.constant 0 : i32
    %dma_start3A_423 = tpu.memref_slice %arg3[%add3A, %dma_start3A_413, %dma_start3A_421, %dma_start3A_422] : memref<32x7x2000x128xf32, #tpu.memory_space<hbm>> -> memref<1x1x500x128xf32, #tpu.memory_space<hbm>>
    %dma_start3A_424 = tpu.memref_squeeze %dma_start3A_423 : memref<1x1x500x128xf32, #tpu.memory_space<hbm>> -> memref<500x128xf32, #tpu.memory_space<hbm>>
    %dma_start3A_425 = arith.constant 6 : i32
    %dma_start3A_426 = arith.constant 0 : i32
    %dma_start3A_427 = tpu.memref_slice %arg4[%dma_start3A_425, %dma_start3A_426] : memref<506x128xf32, #tpu.memory_space<vmem>> -> memref<500x128xf32, #tpu.memory_space<vmem>>
    tpu.enqueue_dma source(%dma_start3A_427 : memref<500x128xf32, #tpu.memory_space<vmem>>) target(%dma_start3A_424 : memref<500x128xf32, #tpu.memory_space<hbm>>) target_semaphore(%arg7 : memref<!tpu.dma_semaphore, #tpu.memory_space<semaphore_mem>>)
    %dma_wait3A_428 = arith.constant 494 : i32
    %dma_wait3A_429 = arith.constant 0 : i32
    %dma_wait3A_430 = tpu.memref_slice %arg2[%add3A, %dma_wait3A_428, %dma_wait3A_429] : memref<32x2000x128xf32, #tpu.memory_space<hbm>> -> memref<1x506x128xf32, #tpu.memory_space<hbm>>
    %dma_wait3A_431 = tpu.memref_squeeze %dma_wait3A_430 : memref<1x506x128xf32, #tpu.memory_space<hbm>> -> memref<506x128xf32, #tpu.memory_space<hbm>>
    %dma_wait3A_432 = arith.constant 494 : i32
    %dma_wait3A_433 = arith.constant 0 : i32
    %dma_wait3A_434 = tpu.memref_slice %arg2[%add3A, %dma_wait3A_432, %dma_wait3A_433] : memref<32x2000x128xf32, #tpu.memory_space<hbm>> -> memref<1x506x128xf32, #tpu.memory_space<hbm>>
    %dma_wait3A_435 = tpu.memref_squeeze %dma_wait3A_434 : memref<1x506x128xf32, #tpu.memory_space<hbm>> -> memref<506x128xf32, #tpu.memory_space<hbm>>
    tpu.wait_dma2 semaphore(%arg6 : memref<!tpu.dma_semaphore, #tpu.memory_space<semaphore_mem>>) src(%dma_wait3A_435 : memref<506x128xf32, #tpu.memory_space<hbm>>) dst(%arg5 : memref<506x128xf32, #tpu.memory_space<vmem>>)
    %dma_wait3A_436 = arith.constant 0 : i32
    %dma_wait3A_437 = arith.constant 0 : i32
    %dma_wait3A_438 = arith.constant 0 : i32
    %dma_wait3A_439 = tpu.memref_slice %arg4[%dma_wait3A_437, %dma_wait3A_438] : memref<506x128xf32, #tpu.memory_space<vmem>> -> memref<500x128xf32, #tpu.memory_space<vmem>>
    %dma_wait3A_440 = arith.constant 0 : i32
    %dma_wait3A_441 = arith.constant 0 : i32
    %dma_wait3A_442 = tpu.memref_slice %arg3[%add3A, %dma_wait3A_436, %dma_wait3A_440, %dma_wait3A_441] : memref<32x7x2000x128xf32, #tpu.memory_space<hbm>> -> memref<1x1x500x128xf32, #tpu.memory_space<hbm>>
    %dma_wait3A_443 = tpu.memref_squeeze %dma_wait3A_442 : memref<1x1x500x128xf32, #tpu.memory_space<hbm>> -> memref<500x128xf32, #tpu.memory_space<hbm>>
    %dma_wait3A_444 = arith.constant 0 : i32
    %dma_wait3A_445 = arith.constant 0 : i32
    %dma_wait3A_446 = tpu.memref_slice %arg3[%add3A, %dma_wait3A_436, %dma_wait3A_444, %dma_wait3A_445] : memref<32x7x2000x128xf32, #tpu.memory_space<hbm>> -> memref<1x1x500x128xf32, #tpu.memory_space<hbm>>
    %dma_wait3A_447 = tpu.memref_squeeze %dma_wait3A_446 : memref<1x1x500x128xf32, #tpu.memory_space<hbm>> -> memref<500x128xf32, #tpu.memory_space<hbm>>
    %dma_wait3A_448 = arith.constant 0 : i32
    %dma_wait3A_449 = arith.constant 0 : i32
    %dma_wait3A_450 = tpu.memref_slice %arg4[%dma_wait3A_448, %dma_wait3A_449] : memref<506x128xf32, #tpu.memory_space<vmem>> -> memref<500x128xf32, #tpu.memory_space<vmem>>
    tpu.wait_dma2 semaphore(%arg7 : memref<!tpu.dma_semaphore, #tpu.memory_space<semaphore_mem>>) src(%dma_wait3A_450 : memref<500x128xf32, #tpu.memory_space<vmem>>) dst(%dma_wait3A_447 : memref<500x128xf32, #tpu.memory_space<hbm>>)
    %dma_wait3A_451 = arith.constant 1 : i32
    %dma_wait3A_452 = arith.constant 1 : i32
    %dma_wait3A_453 = arith.constant 0 : i32
    %dma_wait3A_454 = tpu.memref_slice %arg4[%dma_wait3A_452, %dma_wait3A_453] : memref<506x128xf32, #tpu.memory_space<vmem>> -> memref<500x128xf32, #tpu.memory_space<vmem>>
    %dma_wait3A_455 = arith.constant 0 : i32
    %dma_wait3A_456 = arith.constant 0 : i32
    %dma_wait3A_457 = tpu.memref_slice %arg3[%add3A, %dma_wait3A_451, %dma_wait3A_455, %dma_wait3A_456] : memref<32x7x2000x128xf32, #tpu.memory_space<hbm>> -> memref<1x1x500x128xf32, #tpu.memory_space<hbm>>
    %dma_wait3A_458 = tpu.memref_squeeze %dma_wait3A_457 : memref<1x1x500x128xf32, #tpu.memory_space<hbm>> -> memref<500x128xf32, #tpu.memory_space<hbm>>
    %dma_wait3A_459 = arith.constant 0 : i32
    %dma_wait3A_460 = arith.constant 0 : i32
    %dma_wait3A_461 = tpu.memref_slice %arg3[%add3A, %dma_wait3A_451, %dma_wait3A_459, %dma_wait3A_460] : memref<32x7x2000x128xf32, #tpu.memory_space<hbm>> -> memref<1x1x500x128xf32, #tpu.memory_space<hbm>>
    %dma_wait3A_462 = tpu.memref_squeeze %dma_wait3A_461 : memref<1x1x500x128xf32, #tpu.memory_space<hbm>> -> memref<500x128xf32, #tpu.memory_space<hbm>>
    %dma_wait3A_463 = arith.constant 1 : i32
    %dma_wait3A_464 = arith.constant 0 : i32
    %dma_wait3A_465 = tpu.memref_slice %arg4[%dma_wait3A_463, %dma_wait3A_464] : memref<506x128xf32, #tpu.memory_space<vmem>> -> memref<500x128xf32, #tpu.memory_space<vmem>>
    tpu.wait_dma2 semaphore(%arg7 : memref<!tpu.dma_semaphore, #tpu.memory_space<semaphore_mem>>) src(%dma_wait3A_465 : memref<500x128xf32, #tpu.memory_space<vmem>>) dst(%dma_wait3A_462 : memref<500x128xf32, #tpu.memory_space<hbm>>)
    %dma_wait3A_466 = arith.constant 2 : i32
    %dma_wait3A_467 = arith.constant 2 : i32
    %dma_wait3A_468 = arith.constant 0 : i32
    %dma_wait3A_469 = tpu.memref_slice %arg4[%dma_wait3A_467, %dma_wait3A_468] : memref<506x128xf32, #tpu.memory_space<vmem>> -> memref<500x128xf32, #tpu.memory_space<vmem>>
    %dma_wait3A_470 = arith.constant 0 : i32
    %dma_wait3A_471 = arith.constant 0 : i32
    %dma_wait3A_472 = tpu.memref_slice %arg3[%add3A, %dma_wait3A_466, %dma_wait3A_470, %dma_wait3A_471] : memref<32x7x2000x128xf32, #tpu.memory_space<hbm>> -> memref<1x1x500x128xf32, #tpu.memory_space<hbm>>
    %dma_wait3A_473 = tpu.memref_squeeze %dma_wait3A_472 : memref<1x1x500x128xf32, #tpu.memory_space<hbm>> -> memref<500x128xf32, #tpu.memory_space<hbm>>
    %dma_wait3A_474 = arith.constant 0 : i32
    %dma_wait3A_475 = arith.constant 0 : i32
    %dma_wait3A_476 = tpu.memref_slice %arg3[%add3A, %dma_wait3A_466, %dma_wait3A_474, %dma_wait3A_475] : memref<32x7x2000x128xf32, #tpu.memory_space<hbm>> -> memref<1x1x500x128xf32, #tpu.memory_space<hbm>>
    %dma_wait3A_477 = tpu.memref_squeeze %dma_wait3A_476 : memref<1x1x500x128xf32, #tpu.memory_space<hbm>> -> memref<500x128xf32, #tpu.memory_space<hbm>>
    %dma_wait3A_478 = arith.constant 2 : i32
    %dma_wait3A_479 = arith.constant 0 : i32
    %dma_wait3A_480 = tpu.memref_slice %arg4[%dma_wait3A_478, %dma_wait3A_479] : memref<506x128xf32, #tpu.memory_space<vmem>> -> memref<500x128xf32, #tpu.memory_space<vmem>>
    tpu.wait_dma2 semaphore(%arg7 : memref<!tpu.dma_semaphore, #tpu.memory_space<semaphore_mem>>) src(%dma_wait3A_480 : memref<500x128xf32, #tpu.memory_space<vmem>>) dst(%dma_wait3A_477 : memref<500x128xf32, #tpu.memory_space<hbm>>)
    %dma_wait3A_481 = arith.constant 3 : i32
    %dma_wait3A_482 = arith.constant 3 : i32
    %dma_wait3A_483 = arith.constant 0 : i32
    %dma_wait3A_484 = tpu.memref_slice %arg4[%dma_wait3A_482, %dma_wait3A_483] : memref<506x128xf32, #tpu.memory_space<vmem>> -> memref<500x128xf32, #tpu.memory_space<vmem>>
    %dma_wait3A_485 = arith.constant 0 : i32
    %dma_wait3A_486 = arith.constant 0 : i32
    %dma_wait3A_487 = tpu.memref_slice %arg3[%add3A, %dma_wait3A_481, %dma_wait3A_485, %dma_wait3A_486] : memref<32x7x2000x128xf32, #tpu.memory_space<hbm>> -> memref<1x1x500x128xf32, #tpu.memory_space<hbm>>
    %dma_wait3A_488 = tpu.memref_squeeze %dma_wait3A_487 : memref<1x1x500x128xf32, #tpu.memory_space<hbm>> -> memref<500x128xf32, #tpu.memory_space<hbm>>
    %dma_wait3A_489 = arith.constant 0 : i32
    %dma_wait3A_490 = arith.constant 0 : i32
    %dma_wait3A_491 = tpu.memref_slice %arg3[%add3A, %dma_wait3A_481, %dma_wait3A_489, %dma_wait3A_490] : memref<32x7x2000x128xf32, #tpu.memory_space<hbm>> -> memref<1x1x500x128xf32, #tpu.memory_space<hbm>>
    %dma_wait3A_492 = tpu.memref_squeeze %dma_wait3A_491 : memref<1x1x500x128xf32, #tpu.memory_space<hbm>> -> memref<500x128xf32, #tpu.memory_space<hbm>>
    %dma_wait3A_493 = arith.constant 3 : i32
    %dma_wait3A_494 = arith.constant 0 : i32
    %dma_wait3A_495 = tpu.memref_slice %arg4[%dma_wait3A_493, %dma_wait3A_494] : memref<506x128xf32, #tpu.memory_space<vmem>> -> memref<500x128xf32, #tpu.memory_space<vmem>>
    tpu.wait_dma2 semaphore(%arg7 : memref<!tpu.dma_semaphore, #tpu.memory_space<semaphore_mem>>) src(%dma_wait3A_495 : memref<500x128xf32, #tpu.memory_space<vmem>>) dst(%dma_wait3A_492 : memref<500x128xf32, #tpu.memory_space<hbm>>)
    %dma_wait3A_496 = arith.constant 4 : i32
    %dma_wait3A_497 = arith.constant 4 : i32
    %dma_wait3A_498 = arith.constant 0 : i32
    %dma_wait3A_499 = tpu.memref_slice %arg4[%dma_wait3A_497, %dma_wait3A_498] : memref<506x128xf32, #tpu.memory_space<vmem>> -> memref<500x128xf32, #tpu.memory_space<vmem>>
    %dma_wait3A_500 = arith.constant 0 : i32
    %dma_wait3A_501 = arith.constant 0 : i32
    %dma_wait3A_502 = tpu.memref_slice %arg3[%add3A, %dma_wait3A_496, %dma_wait3A_500, %dma_wait3A_501] : memref<32x7x2000x128xf32, #tpu.memory_space<hbm>> -> memref<1x1x500x128xf32, #tpu.memory_space<hbm>>
    %dma_wait3A_503 = tpu.memref_squeeze %dma_wait3A_502 : memref<1x1x500x128xf32, #tpu.memory_space<hbm>> -> memref<500x128xf32, #tpu.memory_space<hbm>>
    %dma_wait3A_504 = arith.constant 0 : i32
    %dma_wait3A_505 = arith.constant 0 : i32
    %dma_wait3A_506 = tpu.memref_slice %arg3[%add3A, %dma_wait3A_496, %dma_wait3A_504, %dma_wait3A_505] : memref<32x7x2000x128xf32, #tpu.memory_space<hbm>> -> memref<1x1x500x128xf32, #tpu.memory_space<hbm>>
    %dma_wait3A_507 = tpu.memref_squeeze %dma_wait3A_506 : memref<1x1x500x128xf32, #tpu.memory_space<hbm>> -> memref<500x128xf32, #tpu.memory_space<hbm>>
    %dma_wait3A_508 = arith.constant 4 : i32
    %dma_wait3A_509 = arith.constant 0 : i32
    %dma_wait3A_510 = tpu.memref_slice %arg4[%dma_wait3A_508, %dma_wait3A_509] : memref<506x128xf32, #tpu.memory_space<vmem>> -> memref<500x128xf32, #tpu.memory_space<vmem>>
    tpu.wait_dma2 semaphore(%arg7 : memref<!tpu.dma_semaphore, #tpu.memory_space<semaphore_mem>>) src(%dma_wait3A_510 : memref<500x128xf32, #tpu.memory_space<vmem>>) dst(%dma_wait3A_507 : memref<500x128xf32, #tpu.memory_space<hbm>>)
    %dma_wait3A_511 = arith.constant 5 : i32
    %dma_wait3A_512 = arith.constant 5 : i32
    %dma_wait3A_513 = arith.constant 0 : i32
    %dma_wait3A_514 = tpu.memref_slice %arg4[%dma_wait3A_512, %dma_wait3A_513] : memref<506x128xf32, #tpu.memory_space<vmem>> -> memref<500x128xf32, #tpu.memory_space<vmem>>
    %dma_wait3A_515 = arith.constant 0 : i32
    %dma_wait3A_516 = arith.constant 0 : i32
    %dma_wait3A_517 = tpu.memref_slice %arg3[%add3A, %dma_wait3A_511, %dma_wait3A_515, %dma_wait3A_516] : memref<32x7x2000x128xf32, #tpu.memory_space<hbm>> -> memref<1x1x500x128xf32, #tpu.memory_space<hbm>>
    %dma_wait3A_518 = tpu.memref_squeeze %dma_wait3A_517 : memref<1x1x500x128xf32, #tpu.memory_space<hbm>> -> memref<500x128xf32, #tpu.memory_space<hbm>>
    %dma_wait3A_519 = arith.constant 0 : i32
    %dma_wait3A_520 = arith.constant 0 : i32
    %dma_wait3A_521 = tpu.memref_slice %arg3[%add3A, %dma_wait3A_511, %dma_wait3A_519, %dma_wait3A_520] : memref<32x7x2000x128xf32, #tpu.memory_space<hbm>> -> memref<1x1x500x128xf32, #tpu.memory_space<hbm>>
    %dma_wait3A_522 = tpu.memref_squeeze %dma_wait3A_521 : memref<1x1x500x128xf32, #tpu.memory_space<hbm>> -> memref<500x128xf32, #tpu.memory_space<hbm>>
    %dma_wait3A_523 = arith.constant 5 : i32
    %dma_wait3A_524 = arith.constant 0 : i32
    %dma_wait3A_525 = tpu.memref_slice %arg4[%dma_wait3A_523, %dma_wait3A_524] : memref<506x128xf32, #tpu.memory_space<vmem>> -> memref<500x128xf32, #tpu.memory_space<vmem>>
    tpu.wait_dma2 semaphore(%arg7 : memref<!tpu.dma_semaphore, #tpu.memory_space<semaphore_mem>>) src(%dma_wait3A_525 : memref<500x128xf32, #tpu.memory_space<vmem>>) dst(%dma_wait3A_522 : memref<500x128xf32, #tpu.memory_space<hbm>>)
    %dma_wait3A_526 = arith.constant 6 : i32
    %dma_wait3A_527 = arith.constant 6 : i32
    %dma_wait3A_528 = arith.constant 0 : i32
    %dma_wait3A_529 = tpu.memref_slice %arg4[%dma_wait3A_527, %dma_wait3A_528] : memref<506x128xf32, #tpu.memory_space<vmem>> -> memref<500x128xf32, #tpu.memory_space<vmem>>
    %dma_wait3A_530 = arith.constant 0 : i32
    %dma_wait3A_531 = arith.constant 0 : i32
    %dma_wait3A_532 = tpu.memref_slice %arg3[%add3A, %dma_wait3A_526, %dma_wait3A_530, %dma_wait3A_531] : memref<32x7x2000x128xf32, #tpu.memory_space<hbm>> -> memref<1x1x500x128xf32, #tpu.memory_space<hbm>>
    %dma_wait3A_533 = tpu.memref_squeeze %dma_wait3A_532 : memref<1x1x500x128xf32, #tpu.memory_space<hbm>> -> memref<500x128xf32, #tpu.memory_space<hbm>>
    %dma_wait3A_534 = arith.constant 0 : i32
    %dma_wait3A_535 = arith.constant 0 : i32
    %dma_wait3A_536 = tpu.memref_slice %arg3[%add3A, %dma_wait3A_526, %dma_wait3A_534, %dma_wait3A_535] : memref<32x7x2000x128xf32, #tpu.memory_space<hbm>> -> memref<1x1x500x128xf32, #tpu.memory_space<hbm>>
    %dma_wait3A_537 = tpu.memref_squeeze %dma_wait3A_536 : memref<1x1x500x128xf32, #tpu.memory_space<hbm>> -> memref<500x128xf32, #tpu.memory_space<hbm>>
    %dma_wait3A_538 = arith.constant 6 : i32
    %dma_wait3A_539 = arith.constant 0 : i32
    %dma_wait3A_540 = tpu.memref_slice %arg4[%dma_wait3A_538, %dma_wait3A_539] : memref<506x128xf32, #tpu.memory_space<vmem>> -> memref<500x128xf32, #tpu.memory_space<vmem>>
    tpu.wait_dma2 semaphore(%arg7 : memref<!tpu.dma_semaphore, #tpu.memory_space<semaphore_mem>>) src(%dma_wait3A_540 : memref<500x128xf32, #tpu.memory_space<vmem>>) dst(%dma_wait3A_537 : memref<500x128xf32, #tpu.memory_space<hbm>>)
    %dma_start3A_541 = arith.constant 994 : i32
    %dma_start3A_542 = arith.constant 0 : i32
    %dma_start3A_543 = tpu.memref_slice %arg2[%add3A, %dma_start3A_541, %dma_start3A_542] : memref<32x2000x128xf32, #tpu.memory_space<hbm>> -> memref<1x506x128xf32, #tpu.memory_space<hbm>>
    %dma_start3A_544 = tpu.memref_squeeze %dma_start3A_543 : memref<1x506x128xf32, #tpu.memory_space<hbm>> -> memref<506x128xf32, #tpu.memory_space<hbm>>
    %dma_start3A_545 = arith.constant 994 : i32
    %dma_start3A_546 = arith.constant 0 : i32
    %dma_start3A_547 = tpu.memref_slice %arg2[%add3A, %dma_start3A_545, %dma_start3A_546] : memref<32x2000x128xf32, #tpu.memory_space<hbm>> -> memref<1x506x128xf32, #tpu.memory_space<hbm>>
    %dma_start3A_548 = tpu.memref_squeeze %dma_start3A_547 : memref<1x506x128xf32, #tpu.memory_space<hbm>> -> memref<506x128xf32, #tpu.memory_space<hbm>>
    tpu.enqueue_dma source(%dma_start3A_548 : memref<506x128xf32, #tpu.memory_space<hbm>>) target(%arg4 : memref<506x128xf32, #tpu.memory_space<vmem>>) target_semaphore(%arg6 : memref<!tpu.dma_semaphore, #tpu.memory_space<semaphore_mem>>)
    %dma_start3A_549 = arith.constant 0 : i32
    %dma_start3A_550 = arith.constant 0 : i32
    %dma_start3A_551 = arith.constant 0 : i32
    %dma_start3A_552 = tpu.memref_slice %arg5[%dma_start3A_550, %dma_start3A_551] : memref<506x128xf32, #tpu.memory_space<vmem>> -> memref<500x128xf32, #tpu.memory_space<vmem>>
    %dma_start3A_553 = arith.constant 500 : i32
    %dma_start3A_554 = arith.constant 0 : i32
    %dma_start3A_555 = tpu.memref_slice %arg3[%add3A, %dma_start3A_549, %dma_start3A_553, %dma_start3A_554] : memref<32x7x2000x128xf32, #tpu.memory_space<hbm>> -> memref<1x1x500x128xf32, #tpu.memory_space<hbm>>
    %dma_start3A_556 = tpu.memref_squeeze %dma_start3A_555 : memref<1x1x500x128xf32, #tpu.memory_space<hbm>> -> memref<500x128xf32, #tpu.memory_space<hbm>>
    %dma_start3A_557 = arith.constant 500 : i32
    %dma_start3A_558 = arith.constant 0 : i32
    %dma_start3A_559 = tpu.memref_slice %arg3[%add3A, %dma_start3A_549, %dma_start3A_557, %dma_start3A_558] : memref<32x7x2000x128xf32, #tpu.memory_space<hbm>> -> memref<1x1x500x128xf32, #tpu.memory_space<hbm>>
    %dma_start3A_560 = tpu.memref_squeeze %dma_start3A_559 : memref<1x1x500x128xf32, #tpu.memory_space<hbm>> -> memref<500x128xf32, #tpu.memory_space<hbm>>
    %dma_start3A_561 = arith.constant 0 : i32
    %dma_start3A_562 = arith.constant 0 : i32
    %dma_start3A_563 = tpu.memref_slice %arg5[%dma_start3A_561, %dma_start3A_562] : memref<506x128xf32, #tpu.memory_space<vmem>> -> memref<500x128xf32, #tpu.memory_space<vmem>>
    tpu.enqueue_dma source(%dma_start3A_563 : memref<500x128xf32, #tpu.memory_space<vmem>>) target(%dma_start3A_560 : memref<500x128xf32, #tpu.memory_space<hbm>>) target_semaphore(%arg8 : memref<!tpu.dma_semaphore, #tpu.memory_space<semaphore_mem>>)
    %dma_start3A_564 = arith.constant 1 : i32
    %dma_start3A_565 = arith.constant 1 : i32
    %dma_start3A_566 = arith.constant 0 : i32
    %dma_start3A_567 = tpu.memref_slice %arg5[%dma_start3A_565, %dma_start3A_566] : memref<506x128xf32, #tpu.memory_space<vmem>> -> memref<500x128xf32, #tpu.memory_space<vmem>>
    %dma_start3A_568 = arith.constant 500 : i32
    %dma_start3A_569 = arith.constant 0 : i32
    %dma_start3A_570 = tpu.memref_slice %arg3[%add3A, %dma_start3A_564, %dma_start3A_568, %dma_start3A_569] : memref<32x7x2000x128xf32, #tpu.memory_space<hbm>> -> memref<1x1x500x128xf32, #tpu.memory_space<hbm>>
    %dma_start3A_571 = tpu.memref_squeeze %dma_start3A_570 : memref<1x1x500x128xf32, #tpu.memory_space<hbm>> -> memref<500x128xf32, #tpu.memory_space<hbm>>
    %dma_start3A_572 = arith.constant 500 : i32
    %dma_start3A_573 = arith.constant 0 : i32
    %dma_start3A_574 = tpu.memref_slice %arg3[%add3A, %dma_start3A_564, %dma_start3A_572, %dma_start3A_573] : memref<32x7x2000x128xf32, #tpu.memory_space<hbm>> -> memref<1x1x500x128xf32, #tpu.memory_space<hbm>>
    %dma_start3A_575 = tpu.memref_squeeze %dma_start3A_574 : memref<1x1x500x128xf32, #tpu.memory_space<hbm>> -> memref<500x128xf32, #tpu.memory_space<hbm>>
    %dma_start3A_576 = arith.constant 1 : i32
    %dma_start3A_577 = arith.constant 0 : i32
    %dma_start3A_578 = tpu.memref_slice %arg5[%dma_start3A_576, %dma_start3A_577] : memref<506x128xf32, #tpu.memory_space<vmem>> -> memref<500x128xf32, #tpu.memory_space<vmem>>
    tpu.enqueue_dma source(%dma_start3A_578 : memref<500x128xf32, #tpu.memory_space<vmem>>) target(%dma_start3A_575 : memref<500x128xf32, #tpu.memory_space<hbm>>) target_semaphore(%arg8 : memref<!tpu.dma_semaphore, #tpu.memory_space<semaphore_mem>>)
    %dma_start3A_579 = arith.constant 2 : i32
    %dma_start3A_580 = arith.constant 2 : i32
    %dma_start3A_581 = arith.constant 0 : i32
    %dma_start3A_582 = tpu.memref_slice %arg5[%dma_start3A_580, %dma_start3A_581] : memref<506x128xf32, #tpu.memory_space<vmem>> -> memref<500x128xf32, #tpu.memory_space<vmem>>
    %dma_start3A_583 = arith.constant 500 : i32
    %dma_start3A_584 = arith.constant 0 : i32
    %dma_start3A_585 = tpu.memref_slice %arg3[%add3A, %dma_start3A_579, %dma_start3A_583, %dma_start3A_584] : memref<32x7x2000x128xf32, #tpu.memory_space<hbm>> -> memref<1x1x500x128xf32, #tpu.memory_space<hbm>>
    %dma_start3A_586 = tpu.memref_squeeze %dma_start3A_585 : memref<1x1x500x128xf32, #tpu.memory_space<hbm>> -> memref<500x128xf32, #tpu.memory_space<hbm>>
    %dma_start3A_587 = arith.constant 500 : i32
    %dma_start3A_588 = arith.constant 0 : i32
    %dma_start3A_589 = tpu.memref_slice %arg3[%add3A, %dma_start3A_579, %dma_start3A_587, %dma_start3A_588] : memref<32x7x2000x128xf32, #tpu.memory_space<hbm>> -> memref<1x1x500x128xf32, #tpu.memory_space<hbm>>
    %dma_start3A_590 = tpu.memref_squeeze %dma_start3A_589 : memref<1x1x500x128xf32, #tpu.memory_space<hbm>> -> memref<500x128xf32, #tpu.memory_space<hbm>>
    %dma_start3A_591 = arith.constant 2 : i32
    %dma_start3A_592 = arith.constant 0 : i32
    %dma_start3A_593 = tpu.memref_slice %arg5[%dma_start3A_591, %dma_start3A_592] : memref<506x128xf32, #tpu.memory_space<vmem>> -> memref<500x128xf32, #tpu.memory_space<vmem>>
    tpu.enqueue_dma source(%dma_start3A_593 : memref<500x128xf32, #tpu.memory_space<vmem>>) target(%dma_start3A_590 : memref<500x128xf32, #tpu.memory_space<hbm>>) target_semaphore(%arg8 : memref<!tpu.dma_semaphore, #tpu.memory_space<semaphore_mem>>)
    %dma_start3A_594 = arith.constant 3 : i32
    %dma_start3A_595 = arith.constant 3 : i32
    %dma_start3A_596 = arith.constant 0 : i32
    %dma_start3A_597 = tpu.memref_slice %arg5[%dma_start3A_595, %dma_start3A_596] : memref<506x128xf32, #tpu.memory_space<vmem>> -> memref<500x128xf32, #tpu.memory_space<vmem>>
    %dma_start3A_598 = arith.constant 500 : i32
    %dma_start3A_599 = arith.constant 0 : i32
    %dma_start3A_600 = tpu.memref_slice %arg3[%add3A, %dma_start3A_594, %dma_start3A_598, %dma_start3A_599] : memref<32x7x2000x128xf32, #tpu.memory_space<hbm>> -> memref<1x1x500x128xf32, #tpu.memory_space<hbm>>
    %dma_start3A_601 = tpu.memref_squeeze %dma_start3A_600 : memref<1x1x500x128xf32, #tpu.memory_space<hbm>> -> memref<500x128xf32, #tpu.memory_space<hbm>>
    %dma_start3A_602 = arith.constant 500 : i32
    %dma_start3A_603 = arith.constant 0 : i32
    %dma_start3A_604 = tpu.memref_slice %arg3[%add3A, %dma_start3A_594, %dma_start3A_602, %dma_start3A_603] : memref<32x7x2000x128xf32, #tpu.memory_space<hbm>> -> memref<1x1x500x128xf32, #tpu.memory_space<hbm>>
    %dma_start3A_605 = tpu.memref_squeeze %dma_start3A_604 : memref<1x1x500x128xf32, #tpu.memory_space<hbm>> -> memref<500x128xf32, #tpu.memory_space<hbm>>
    %dma_start3A_606 = arith.constant 3 : i32
    %dma_start3A_607 = arith.constant 0 : i32
    %dma_start3A_608 = tpu.memref_slice %arg5[%dma_start3A_606, %dma_start3A_607] : memref<506x128xf32, #tpu.memory_space<vmem>> -> memref<500x128xf32, #tpu.memory_space<vmem>>
    tpu.enqueue_dma source(%dma_start3A_608 : memref<500x128xf32, #tpu.memory_space<vmem>>) target(%dma_start3A_605 : memref<500x128xf32, #tpu.memory_space<hbm>>) target_semaphore(%arg8 : memref<!tpu.dma_semaphore, #tpu.memory_space<semaphore_mem>>)
    %dma_start3A_609 = arith.constant 4 : i32
    %dma_start3A_610 = arith.constant 4 : i32
    %dma_start3A_611 = arith.constant 0 : i32
    %dma_start3A_612 = tpu.memref_slice %arg5[%dma_start3A_610, %dma_start3A_611] : memref<506x128xf32, #tpu.memory_space<vmem>> -> memref<500x128xf32, #tpu.memory_space<vmem>>
    %dma_start3A_613 = arith.constant 500 : i32
    %dma_start3A_614 = arith.constant 0 : i32
    %dma_start3A_615 = tpu.memref_slice %arg3[%add3A, %dma_start3A_609, %dma_start3A_613, %dma_start3A_614] : memref<32x7x2000x128xf32, #tpu.memory_space<hbm>> -> memref<1x1x500x128xf32, #tpu.memory_space<hbm>>
    %dma_start3A_616 = tpu.memref_squeeze %dma_start3A_615 : memref<1x1x500x128xf32, #tpu.memory_space<hbm>> -> memref<500x128xf32, #tpu.memory_space<hbm>>
    %dma_start3A_617 = arith.constant 500 : i32
    %dma_start3A_618 = arith.constant 0 : i32
    %dma_start3A_619 = tpu.memref_slice %arg3[%add3A, %dma_start3A_609, %dma_start3A_617, %dma_start3A_618] : memref<32x7x2000x128xf32, #tpu.memory_space<hbm>> -> memref<1x1x500x128xf32, #tpu.memory_space<hbm>>
    %dma_start3A_620 = tpu.memref_squeeze %dma_start3A_619 : memref<1x1x500x128xf32, #tpu.memory_space<hbm>> -> memref<500x128xf32, #tpu.memory_space<hbm>>
    %dma_start3A_621 = arith.constant 4 : i32
    %dma_start3A_622 = arith.constant 0 : i32
    %dma_start3A_623 = tpu.memref_slice %arg5[%dma_start3A_621, %dma_start3A_622] : memref<506x128xf32, #tpu.memory_space<vmem>> -> memref<500x128xf32, #tpu.memory_space<vmem>>
    tpu.enqueue_dma source(%dma_start3A_623 : memref<500x128xf32, #tpu.memory_space<vmem>>) target(%dma_start3A_620 : memref<500x128xf32, #tpu.memory_space<hbm>>) target_semaphore(%arg8 : memref<!tpu.dma_semaphore, #tpu.memory_space<semaphore_mem>>)
    %dma_start3A_624 = arith.constant 5 : i32
    %dma_start3A_625 = arith.constant 5 : i32
    %dma_start3A_626 = arith.constant 0 : i32
    %dma_start3A_627 = tpu.memref_slice %arg5[%dma_start3A_625, %dma_start3A_626] : memref<506x128xf32, #tpu.memory_space<vmem>> -> memref<500x128xf32, #tpu.memory_space<vmem>>
    %dma_start3A_628 = arith.constant 500 : i32
    %dma_start3A_629 = arith.constant 0 : i32
    %dma_start3A_630 = tpu.memref_slice %arg3[%add3A, %dma_start3A_624, %dma_start3A_628, %dma_start3A_629] : memref<32x7x2000x128xf32, #tpu.memory_space<hbm>> -> memref<1x1x500x128xf32, #tpu.memory_space<hbm>>
    %dma_start3A_631 = tpu.memref_squeeze %dma_start3A_630 : memref<1x1x500x128xf32, #tpu.memory_space<hbm>> -> memref<500x128xf32, #tpu.memory_space<hbm>>
    %dma_start3A_632 = arith.constant 500 : i32
    %dma_start3A_633 = arith.constant 0 : i32
    %dma_start3A_634 = tpu.memref_slice %arg3[%add3A, %dma_start3A_624, %dma_start3A_632, %dma_start3A_633] : memref<32x7x2000x128xf32, #tpu.memory_space<hbm>> -> memref<1x1x500x128xf32, #tpu.memory_space<hbm>>
    %dma_start3A_635 = tpu.memref_squeeze %dma_start3A_634 : memref<1x1x500x128xf32, #tpu.memory_space<hbm>> -> memref<500x128xf32, #tpu.memory_space<hbm>>
    %dma_start3A_636 = arith.constant 5 : i32
    %dma_start3A_637 = arith.constant 0 : i32
    %dma_start3A_638 = tpu.memref_slice %arg5[%dma_start3A_636, %dma_start3A_637] : memref<506x128xf32, #tpu.memory_space<vmem>> -> memref<500x128xf32, #tpu.memory_space<vmem>>
    tpu.enqueue_dma source(%dma_start3A_638 : memref<500x128xf32, #tpu.memory_space<vmem>>) target(%dma_start3A_635 : memref<500x128xf32, #tpu.memory_space<hbm>>) target_semaphore(%arg8 : memref<!tpu.dma_semaphore, #tpu.memory_space<semaphore_mem>>)
    %dma_start3A_639 = arith.constant 6 : i32
    %dma_start3A_640 = arith.constant 6 : i32
    %dma_start3A_641 = arith.constant 0 : i32
    %dma_start3A_642 = tpu.memref_slice %arg5[%dma_start3A_640, %dma_start3A_641] : memref<506x128xf32, #tpu.memory_space<vmem>> -> memref<500x128xf32, #tpu.memory_space<vmem>>
    %dma_start3A_643 = arith.constant 500 : i32
    %dma_start3A_644 = arith.constant 0 : i32
    %dma_start3A_645 = tpu.memref_slice %arg3[%add3A, %dma_start3A_639, %dma_start3A_643, %dma_start3A_644] : memref<32x7x2000x128xf32, #tpu.memory_space<hbm>> -> memref<1x1x500x128xf32, #tpu.memory_space<hbm>>
    %dma_start3A_646 = tpu.memref_squeeze %dma_start3A_645 : memref<1x1x500x128xf32, #tpu.memory_space<hbm>> -> memref<500x128xf32, #tpu.memory_space<hbm>>
    %dma_start3A_647 = arith.constant 500 : i32
    %dma_start3A_648 = arith.constant 0 : i32
    %dma_start3A_649 = tpu.memref_slice %arg3[%add3A, %dma_start3A_639, %dma_start3A_647, %dma_start3A_648] : memref<32x7x2000x128xf32, #tpu.memory_space<hbm>> -> memref<1x1x500x128xf32, #tpu.memory_space<hbm>>
    %dma_start3A_650 = tpu.memref_squeeze %dma_start3A_649 : memref<1x1x500x128xf32, #tpu.memory_space<hbm>> -> memref<500x128xf32, #tpu.memory_space<hbm>>
    %dma_start3A_651 = arith.constant 6 : i32
    %dma_start3A_652 = arith.constant 0 : i32
    %dma_start3A_653 = tpu.memref_slice %arg5[%dma_start3A_651, %dma_start3A_652] : memref<506x128xf32, #tpu.memory_space<vmem>> -> memref<500x128xf32, #tpu.memory_space<vmem>>
    tpu.enqueue_dma source(%dma_start3A_653 : memref<500x128xf32, #tpu.memory_space<vmem>>) target(%dma_start3A_650 : memref<500x128xf32, #tpu.memory_space<hbm>>) target_semaphore(%arg8 : memref<!tpu.dma_semaphore, #tpu.memory_space<semaphore_mem>>)
    %dma_wait3A_654 = arith.constant 994 : i32
    %dma_wait3A_655 = arith.constant 0 : i32
    %dma_wait3A_656 = tpu.memref_slice %arg2[%add3A, %dma_wait3A_654, %dma_wait3A_655] : memref<32x2000x128xf32, #tpu.memory_space<hbm>> -> memref<1x506x128xf32, #tpu.memory_space<hbm>>
    %dma_wait3A_657 = tpu.memref_squeeze %dma_wait3A_656 : memref<1x506x128xf32, #tpu.memory_space<hbm>> -> memref<506x128xf32, #tpu.memory_space<hbm>>
    %dma_wait3A_658 = arith.constant 994 : i32
    %dma_wait3A_659 = arith.constant 0 : i32
    %dma_wait3A_660 = tpu.memref_slice %arg2[%add3A, %dma_wait3A_658, %dma_wait3A_659] : memref<32x2000x128xf32, #tpu.memory_space<hbm>> -> memref<1x506x128xf32, #tpu.memory_space<hbm>>
    %dma_wait3A_661 = tpu.memref_squeeze %dma_wait3A_660 : memref<1x506x128xf32, #tpu.memory_space<hbm>> -> memref<506x128xf32, #tpu.memory_space<hbm>>
    tpu.wait_dma2 semaphore(%arg6 : memref<!tpu.dma_semaphore, #tpu.memory_space<semaphore_mem>>) src(%dma_wait3A_661 : memref<506x128xf32, #tpu.memory_space<hbm>>) dst(%arg4 : memref<506x128xf32, #tpu.memory_space<vmem>>)
    %dma_wait3A_662 = arith.constant 0 : i32
    %dma_wait3A_663 = arith.constant 0 : i32
    %dma_wait3A_664 = arith.constant 0 : i32
    %dma_wait3A_665 = tpu.memref_slice %arg5[%dma_wait3A_663, %dma_wait3A_664] : memref<506x128xf32, #tpu.memory_space<vmem>> -> memref<500x128xf32, #tpu.memory_space<vmem>>
    %dma_wait3A_666 = arith.constant 500 : i32
    %dma_wait3A_667 = arith.constant 0 : i32
    %dma_wait3A_668 = tpu.memref_slice %arg3[%add3A, %dma_wait3A_662, %dma_wait3A_666, %dma_wait3A_667] : memref<32x7x2000x128xf32, #tpu.memory_space<hbm>> -> memref<1x1x500x128xf32, #tpu.memory_space<hbm>>
    %dma_wait3A_669 = tpu.memref_squeeze %dma_wait3A_668 : memref<1x1x500x128xf32, #tpu.memory_space<hbm>> -> memref<500x128xf32, #tpu.memory_space<hbm>>
    %dma_wait3A_670 = arith.constant 500 : i32
    %dma_wait3A_671 = arith.constant 0 : i32
    %dma_wait3A_672 = tpu.memref_slice %arg3[%add3A, %dma_wait3A_662, %dma_wait3A_670, %dma_wait3A_671] : memref<32x7x2000x128xf32, #tpu.memory_space<hbm>> -> memref<1x1x500x128xf32, #tpu.memory_space<hbm>>
    %dma_wait3A_673 = tpu.memref_squeeze %dma_wait3A_672 : memref<1x1x500x128xf32, #tpu.memory_space<hbm>> -> memref<500x128xf32, #tpu.memory_space<hbm>>
    %dma_wait3A_674 = arith.constant 0 : i32
    %dma_wait3A_675 = arith.constant 0 : i32
    %dma_wait3A_676 = tpu.memref_slice %arg5[%dma_wait3A_674, %dma_wait3A_675] : memref<506x128xf32, #tpu.memory_space<vmem>> -> memref<500x128xf32, #tpu.memory_space<vmem>>
    tpu.wait_dma2 semaphore(%arg8 : memref<!tpu.dma_semaphore, #tpu.memory_space<semaphore_mem>>) src(%dma_wait3A_676 : memref<500x128xf32, #tpu.memory_space<vmem>>) dst(%dma_wait3A_673 : memref<500x128xf32, #tpu.memory_space<hbm>>)
    %dma_wait3A_677 = arith.constant 1 : i32
    %dma_wait3A_678 = arith.constant 1 : i32
    %dma_wait3A_679 = arith.constant 0 : i32
    %dma_wait3A_680 = tpu.memref_slice %arg5[%dma_wait3A_678, %dma_wait3A_679] : memref<506x128xf32, #tpu.memory_space<vmem>> -> memref<500x128xf32, #tpu.memory_space<vmem>>
    %dma_wait3A_681 = arith.constant 500 : i32
    %dma_wait3A_682 = arith.constant 0 : i32
    %dma_wait3A_683 = tpu.memref_slice %arg3[%add3A, %dma_wait3A_677, %dma_wait3A_681, %dma_wait3A_682] : memref<32x7x2000x128xf32, #tpu.memory_space<hbm>> -> memref<1x1x500x128xf32, #tpu.memory_space<hbm>>
    %dma_wait3A_684 = tpu.memref_squeeze %dma_wait3A_683 : memref<1x1x500x128xf32, #tpu.memory_space<hbm>> -> memref<500x128xf32, #tpu.memory_space<hbm>>
    %dma_wait3A_685 = arith.constant 500 : i32
    %dma_wait3A_686 = arith.constant 0 : i32
    %dma_wait3A_687 = tpu.memref_slice %arg3[%add3A, %dma_wait3A_677, %dma_wait3A_685, %dma_wait3A_686] : memref<32x7x2000x128xf32, #tpu.memory_space<hbm>> -> memref<1x1x500x128xf32, #tpu.memory_space<hbm>>
    %dma_wait3A_688 = tpu.memref_squeeze %dma_wait3A_687 : memref<1x1x500x128xf32, #tpu.memory_space<hbm>> -> memref<500x128xf32, #tpu.memory_space<hbm>>
    %dma_wait3A_689 = arith.constant 1 : i32
    %dma_wait3A_690 = arith.constant 0 : i32
    %dma_wait3A_691 = tpu.memref_slice %arg5[%dma_wait3A_689, %dma_wait3A_690] : memref<506x128xf32, #tpu.memory_space<vmem>> -> memref<500x128xf32, #tpu.memory_space<vmem>>
    tpu.wait_dma2 semaphore(%arg8 : memref<!tpu.dma_semaphore, #tpu.memory_space<semaphore_mem>>) src(%dma_wait3A_691 : memref<500x128xf32, #tpu.memory_space<vmem>>) dst(%dma_wait3A_688 : memref<500x128xf32, #tpu.memory_space<hbm>>)
    %dma_wait3A_692 = arith.constant 2 : i32
    %dma_wait3A_693 = arith.constant 2 : i32
    %dma_wait3A_694 = arith.constant 0 : i32
    %dma_wait3A_695 = tpu.memref_slice %arg5[%dma_wait3A_693, %dma_wait3A_694] : memref<506x128xf32, #tpu.memory_space<vmem>> -> memref<500x128xf32, #tpu.memory_space<vmem>>
    %dma_wait3A_696 = arith.constant 500 : i32
    %dma_wait3A_697 = arith.constant 0 : i32
    %dma_wait3A_698 = tpu.memref_slice %arg3[%add3A, %dma_wait3A_692, %dma_wait3A_696, %dma_wait3A_697] : memref<32x7x2000x128xf32, #tpu.memory_space<hbm>> -> memref<1x1x500x128xf32, #tpu.memory_space<hbm>>
    %dma_wait3A_699 = tpu.memref_squeeze %dma_wait3A_698 : memref<1x1x500x128xf32, #tpu.memory_space<hbm>> -> memref<500x128xf32, #tpu.memory_space<hbm>>
    %dma_wait3A_700 = arith.constant 500 : i32
    %dma_wait3A_701 = arith.constant 0 : i32
    %dma_wait3A_702 = tpu.memref_slice %arg3[%add3A, %dma_wait3A_692, %dma_wait3A_700, %dma_wait3A_701] : memref<32x7x2000x128xf32, #tpu.memory_space<hbm>> -> memref<1x1x500x128xf32, #tpu.memory_space<hbm>>
    %dma_wait3A_703 = tpu.memref_squeeze %dma_wait3A_702 : memref<1x1x500x128xf32, #tpu.memory_space<hbm>> -> memref<500x128xf32, #tpu.memory_space<hbm>>
    %dma_wait3A_704 = arith.constant 2 : i32
    %dma_wait3A_705 = arith.constant 0 : i32
    %dma_wait3A_706 = tpu.memref_slice %arg5[%dma_wait3A_704, %dma_wait3A_705] : memref<506x128xf32, #tpu.memory_space<vmem>> -> memref<500x128xf32, #tpu.memory_space<vmem>>
    tpu.wait_dma2 semaphore(%arg8 : memref<!tpu.dma_semaphore, #tpu.memory_space<semaphore_mem>>) src(%dma_wait3A_706 : memref<500x128xf32, #tpu.memory_space<vmem>>) dst(%dma_wait3A_703 : memref<500x128xf32, #tpu.memory_space<hbm>>)
    %dma_wait3A_707 = arith.constant 3 : i32
    %dma_wait3A_708 = arith.constant 3 : i32
    %dma_wait3A_709 = arith.constant 0 : i32
    %dma_wait3A_710 = tpu.memref_slice %arg5[%dma_wait3A_708, %dma_wait3A_709] : memref<506x128xf32, #tpu.memory_space<vmem>> -> memref<500x128xf32, #tpu.memory_space<vmem>>
    %dma_wait3A_711 = arith.constant 500 : i32
    %dma_wait3A_712 = arith.constant 0 : i32
    %dma_wait3A_713 = tpu.memref_slice %arg3[%add3A, %dma_wait3A_707, %dma_wait3A_711, %dma_wait3A_712] : memref<32x7x2000x128xf32, #tpu.memory_space<hbm>> -> memref<1x1x500x128xf32, #tpu.memory_space<hbm>>
    %dma_wait3A_714 = tpu.memref_squeeze %dma_wait3A_713 : memref<1x1x500x128xf32, #tpu.memory_space<hbm>> -> memref<500x128xf32, #tpu.memory_space<hbm>>
    %dma_wait3A_715 = arith.constant 500 : i32
    %dma_wait3A_716 = arith.constant 0 : i32
    %dma_wait3A_717 = tpu.memref_slice %arg3[%add3A, %dma_wait3A_707, %dma_wait3A_715, %dma_wait3A_716] : memref<32x7x2000x128xf32, #tpu.memory_space<hbm>> -> memref<1x1x500x128xf32, #tpu.memory_space<hbm>>
    %dma_wait3A_718 = tpu.memref_squeeze %dma_wait3A_717 : memref<1x1x500x128xf32, #tpu.memory_space<hbm>> -> memref<500x128xf32, #tpu.memory_space<hbm>>
    %dma_wait3A_719 = arith.constant 3 : i32
    %dma_wait3A_720 = arith.constant 0 : i32
    %dma_wait3A_721 = tpu.memref_slice %arg5[%dma_wait3A_719, %dma_wait3A_720] : memref<506x128xf32, #tpu.memory_space<vmem>> -> memref<500x128xf32, #tpu.memory_space<vmem>>
    tpu.wait_dma2 semaphore(%arg8 : memref<!tpu.dma_semaphore, #tpu.memory_space<semaphore_mem>>) src(%dma_wait3A_721 : memref<500x128xf32, #tpu.memory_space<vmem>>) dst(%dma_wait3A_718 : memref<500x128xf32, #tpu.memory_space<hbm>>)
    %dma_wait3A_722 = arith.constant 4 : i32
    %dma_wait3A_723 = arith.constant 4 : i32
    %dma_wait3A_724 = arith.constant 0 : i32
    %dma_wait3A_725 = tpu.memref_slice %arg5[%dma_wait3A_723, %dma_wait3A_724] : memref<506x128xf32, #tpu.memory_space<vmem>> -> memref<500x128xf32, #tpu.memory_space<vmem>>
    %dma_wait3A_726 = arith.constant 500 : i32
    %dma_wait3A_727 = arith.constant 0 : i32
    %dma_wait3A_728 = tpu.memref_slice %arg3[%add3A, %dma_wait3A_722, %dma_wait3A_726, %dma_wait3A_727] : memref<32x7x2000x128xf32, #tpu.memory_space<hbm>> -> memref<1x1x500x128xf32, #tpu.memory_space<hbm>>
    %dma_wait3A_729 = tpu.memref_squeeze %dma_wait3A_728 : memref<1x1x500x128xf32, #tpu.memory_space<hbm>> -> memref<500x128xf32, #tpu.memory_space<hbm>>
    %dma_wait3A_730 = arith.constant 500 : i32
    %dma_wait3A_731 = arith.constant 0 : i32
    %dma_wait3A_732 = tpu.memref_slice %arg3[%add3A, %dma_wait3A_722, %dma_wait3A_730, %dma_wait3A_731] : memref<32x7x2000x128xf32, #tpu.memory_space<hbm>> -> memref<1x1x500x128xf32, #tpu.memory_space<hbm>>
    %dma_wait3A_733 = tpu.memref_squeeze %dma_wait3A_732 : memref<1x1x500x128xf32, #tpu.memory_space<hbm>> -> memref<500x128xf32, #tpu.memory_space<hbm>>
    %dma_wait3A_734 = arith.constant 4 : i32
    %dma_wait3A_735 = arith.constant 0 : i32
    %dma_wait3A_736 = tpu.memref_slice %arg5[%dma_wait3A_734, %dma_wait3A_735] : memref<506x128xf32, #tpu.memory_space<vmem>> -> memref<500x128xf32, #tpu.memory_space<vmem>>
    tpu.wait_dma2 semaphore(%arg8 : memref<!tpu.dma_semaphore, #tpu.memory_space<semaphore_mem>>) src(%dma_wait3A_736 : memref<500x128xf32, #tpu.memory_space<vmem>>) dst(%dma_wait3A_733 : memref<500x128xf32, #tpu.memory_space<hbm>>)
    %dma_wait3A_737 = arith.constant 5 : i32
    %dma_wait3A_738 = arith.constant 5 : i32
    %dma_wait3A_739 = arith.constant 0 : i32
    %dma_wait3A_740 = tpu.memref_slice %arg5[%dma_wait3A_738, %dma_wait3A_739] : memref<506x128xf32, #tpu.memory_space<vmem>> -> memref<500x128xf32, #tpu.memory_space<vmem>>
    %dma_wait3A_741 = arith.constant 500 : i32
    %dma_wait3A_742 = arith.constant 0 : i32
    %dma_wait3A_743 = tpu.memref_slice %arg3[%add3A, %dma_wait3A_737, %dma_wait3A_741, %dma_wait3A_742] : memref<32x7x2000x128xf32, #tpu.memory_space<hbm>> -> memref<1x1x500x128xf32, #tpu.memory_space<hbm>>
    %dma_wait3A_744 = tpu.memref_squeeze %dma_wait3A_743 : memref<1x1x500x128xf32, #tpu.memory_space<hbm>> -> memref<500x128xf32, #tpu.memory_space<hbm>>
    %dma_wait3A_745 = arith.constant 500 : i32
    %dma_wait3A_746 = arith.constant 0 : i32
    %dma_wait3A_747 = tpu.memref_slice %arg3[%add3A, %dma_wait3A_737, %dma_wait3A_745, %dma_wait3A_746] : memref<32x7x2000x128xf32, #tpu.memory_space<hbm>> -> memref<1x1x500x128xf32, #tpu.memory_space<hbm>>
    %dma_wait3A_748 = tpu.memref_squeeze %dma_wait3A_747 : memref<1x1x500x128xf32, #tpu.memory_space<hbm>> -> memref<500x128xf32, #tpu.memory_space<hbm>>
    %dma_wait3A_749 = arith.constant 5 : i32
    %dma_wait3A_750 = arith.constant 0 : i32
    %dma_wait3A_751 = tpu.memref_slice %arg5[%dma_wait3A_749, %dma_wait3A_750] : memref<506x128xf32, #tpu.memory_space<vmem>> -> memref<500x128xf32, #tpu.memory_space<vmem>>
    tpu.wait_dma2 semaphore(%arg8 : memref<!tpu.dma_semaphore, #tpu.memory_space<semaphore_mem>>) src(%dma_wait3A_751 : memref<500x128xf32, #tpu.memory_space<vmem>>) dst(%dma_wait3A_748 : memref<500x128xf32, #tpu.memory_space<hbm>>)
    %dma_wait3A_752 = arith.constant 6 : i32
    %dma_wait3A_753 = arith.constant 6 : i32
    %dma_wait3A_754 = arith.constant 0 : i32
    %dma_wait3A_755 = tpu.memref_slice %arg5[%dma_wait3A_753, %dma_wait3A_754] : memref<506x128xf32, #tpu.memory_space<vmem>> -> memref<500x128xf32, #tpu.memory_space<vmem>>
    %dma_wait3A_756 = arith.constant 500 : i32
    %dma_wait3A_757 = arith.constant 0 : i32
    %dma_wait3A_758 = tpu.memref_slice %arg3[%add3A, %dma_wait3A_752, %dma_wait3A_756, %dma_wait3A_757] : memref<32x7x2000x128xf32, #tpu.memory_space<hbm>> -> memref<1x1x500x128xf32, #tpu.memory_space<hbm>>
    %dma_wait3A_759 = tpu.memref_squeeze %dma_wait3A_758 : memref<1x1x500x128xf32, #tpu.memory_space<hbm>> -> memref<500x128xf32, #tpu.memory_space<hbm>>
    %dma_wait3A_760 = arith.constant 500 : i32
    %dma_wait3A_761 = arith.constant 0 : i32
    %dma_wait3A_762 = tpu.memref_slice %arg3[%add3A, %dma_wait3A_752, %dma_wait3A_760, %dma_wait3A_761] : memref<32x7x2000x128xf32, #tpu.memory_space<hbm>> -> memref<1x1x500x128xf32, #tpu.memory_space<hbm>>
    %dma_wait3A_763 = tpu.memref_squeeze %dma_wait3A_762 : memref<1x1x500x128xf32, #tpu.memory_space<hbm>> -> memref<500x128xf32, #tpu.memory_space<hbm>>
    %dma_wait3A_764 = arith.constant 6 : i32
    %dma_wait3A_765 = arith.constant 0 : i32
    %dma_wait3A_766 = tpu.memref_slice %arg5[%dma_wait3A_764, %dma_wait3A_765] : memref<506x128xf32, #tpu.memory_space<vmem>> -> memref<500x128xf32, #tpu.memory_space<vmem>>
    tpu.wait_dma2 semaphore(%arg8 : memref<!tpu.dma_semaphore, #tpu.memory_space<semaphore_mem>>) src(%dma_wait3A_766 : memref<500x128xf32, #tpu.memory_space<vmem>>) dst(%dma_wait3A_763 : memref<500x128xf32, #tpu.memory_space<hbm>>)
    %dma_start3A_767 = arith.constant 1494 : i32
    %dma_start3A_768 = arith.constant 0 : i32
    %dma_start3A_769 = tpu.memref_slice %arg2[%add3A, %dma_start3A_767, %dma_start3A_768] : memref<32x2000x128xf32, #tpu.memory_space<hbm>> -> memref<1x506x128xf32, #tpu.memory_space<hbm>>
    %dma_start3A_770 = tpu.memref_squeeze %dma_start3A_769 : memref<1x506x128xf32, #tpu.memory_space<hbm>> -> memref<506x128xf32, #tpu.memory_space<hbm>>
    %dma_start3A_771 = arith.constant 1494 : i32
    %dma_start3A_772 = arith.constant 0 : i32
    %dma_start3A_773 = tpu.memref_slice %arg2[%add3A, %dma_start3A_771, %dma_start3A_772] : memref<32x2000x128xf32, #tpu.memory_space<hbm>> -> memref<1x506x128xf32, #tpu.memory_space<hbm>>
    %dma_start3A_774 = tpu.memref_squeeze %dma_start3A_773 : memref<1x506x128xf32, #tpu.memory_space<hbm>> -> memref<506x128xf32, #tpu.memory_space<hbm>>
    tpu.enqueue_dma source(%dma_start3A_774 : memref<506x128xf32, #tpu.memory_space<hbm>>) target(%arg5 : memref<506x128xf32, #tpu.memory_space<vmem>>) target_semaphore(%arg6 : memref<!tpu.dma_semaphore, #tpu.memory_space<semaphore_mem>>)
    %dma_start3A_775 = arith.constant 0 : i32
    %dma_start3A_776 = arith.constant 0 : i32
    %dma_start3A_777 = arith.constant 0 : i32
    %dma_start3A_778 = tpu.memref_slice %arg4[%dma_start3A_776, %dma_start3A_777] : memref<506x128xf32, #tpu.memory_space<vmem>> -> memref<500x128xf32, #tpu.memory_space<vmem>>
    %dma_start3A_779 = arith.constant 1000 : i32
    %dma_start3A_780 = arith.constant 0 : i32
    %dma_start3A_781 = tpu.memref_slice %arg3[%add3A, %dma_start3A_775, %dma_start3A_779, %dma_start3A_780] : memref<32x7x2000x128xf32, #tpu.memory_space<hbm>> -> memref<1x1x500x128xf32, #tpu.memory_space<hbm>>
    %dma_start3A_782 = tpu.memref_squeeze %dma_start3A_781 : memref<1x1x500x128xf32, #tpu.memory_space<hbm>> -> memref<500x128xf32, #tpu.memory_space<hbm>>
    %dma_start3A_783 = arith.constant 1000 : i32
    %dma_start3A_784 = arith.constant 0 : i32
    %dma_start3A_785 = tpu.memref_slice %arg3[%add3A, %dma_start3A_775, %dma_start3A_783, %dma_start3A_784] : memref<32x7x2000x128xf32, #tpu.memory_space<hbm>> -> memref<1x1x500x128xf32, #tpu.memory_space<hbm>>
    %dma_start3A_786 = tpu.memref_squeeze %dma_start3A_785 : memref<1x1x500x128xf32, #tpu.memory_space<hbm>> -> memref<500x128xf32, #tpu.memory_space<hbm>>
    %dma_start3A_787 = arith.constant 0 : i32
    %dma_start3A_788 = arith.constant 0 : i32
    %dma_start3A_789 = tpu.memref_slice %arg4[%dma_start3A_787, %dma_start3A_788] : memref<506x128xf32, #tpu.memory_space<vmem>> -> memref<500x128xf32, #tpu.memory_space<vmem>>
    tpu.enqueue_dma source(%dma_start3A_789 : memref<500x128xf32, #tpu.memory_space<vmem>>) target(%dma_start3A_786 : memref<500x128xf32, #tpu.memory_space<hbm>>) target_semaphore(%arg7 : memref<!tpu.dma_semaphore, #tpu.memory_space<semaphore_mem>>)
    %dma_start3A_790 = arith.constant 1 : i32
    %dma_start3A_791 = arith.constant 1 : i32
    %dma_start3A_792 = arith.constant 0 : i32
    %dma_start3A_793 = tpu.memref_slice %arg4[%dma_start3A_791, %dma_start3A_792] : memref<506x128xf32, #tpu.memory_space<vmem>> -> memref<500x128xf32, #tpu.memory_space<vmem>>
    %dma_start3A_794 = arith.constant 1000 : i32
    %dma_start3A_795 = arith.constant 0 : i32
    %dma_start3A_796 = tpu.memref_slice %arg3[%add3A, %dma_start3A_790, %dma_start3A_794, %dma_start3A_795] : memref<32x7x2000x128xf32, #tpu.memory_space<hbm>> -> memref<1x1x500x128xf32, #tpu.memory_space<hbm>>
    %dma_start3A_797 = tpu.memref_squeeze %dma_start3A_796 : memref<1x1x500x128xf32, #tpu.memory_space<hbm>> -> memref<500x128xf32, #tpu.memory_space<hbm>>
    %dma_start3A_798 = arith.constant 1000 : i32
    %dma_start3A_799 = arith.constant 0 : i32
    %dma_start3A_800 = tpu.memref_slice %arg3[%add3A, %dma_start3A_790, %dma_start3A_798, %dma_start3A_799] : memref<32x7x2000x128xf32, #tpu.memory_space<hbm>> -> memref<1x1x500x128xf32, #tpu.memory_space<hbm>>
    %dma_start3A_801 = tpu.memref_squeeze %dma_start3A_800 : memref<1x1x500x128xf32, #tpu.memory_space<hbm>> -> memref<500x128xf32, #tpu.memory_space<hbm>>
    %dma_start3A_802 = arith.constant 1 : i32
    %dma_start3A_803 = arith.constant 0 : i32
    %dma_start3A_804 = tpu.memref_slice %arg4[%dma_start3A_802, %dma_start3A_803] : memref<506x128xf32, #tpu.memory_space<vmem>> -> memref<500x128xf32, #tpu.memory_space<vmem>>
    tpu.enqueue_dma source(%dma_start3A_804 : memref<500x128xf32, #tpu.memory_space<vmem>>) target(%dma_start3A_801 : memref<500x128xf32, #tpu.memory_space<hbm>>) target_semaphore(%arg7 : memref<!tpu.dma_semaphore, #tpu.memory_space<semaphore_mem>>)
    %dma_start3A_805 = arith.constant 2 : i32
    %dma_start3A_806 = arith.constant 2 : i32
    %dma_start3A_807 = arith.constant 0 : i32
    %dma_start3A_808 = tpu.memref_slice %arg4[%dma_start3A_806, %dma_start3A_807] : memref<506x128xf32, #tpu.memory_space<vmem>> -> memref<500x128xf32, #tpu.memory_space<vmem>>
    %dma_start3A_809 = arith.constant 1000 : i32
    %dma_start3A_810 = arith.constant 0 : i32
    %dma_start3A_811 = tpu.memref_slice %arg3[%add3A, %dma_start3A_805, %dma_start3A_809, %dma_start3A_810] : memref<32x7x2000x128xf32, #tpu.memory_space<hbm>> -> memref<1x1x500x128xf32, #tpu.memory_space<hbm>>
    %dma_start3A_812 = tpu.memref_squeeze %dma_start3A_811 : memref<1x1x500x128xf32, #tpu.memory_space<hbm>> -> memref<500x128xf32, #tpu.memory_space<hbm>>
    %dma_start3A_813 = arith.constant 1000 : i32
    %dma_start3A_814 = arith.constant 0 : i32
    %dma_start3A_815 = tpu.memref_slice %arg3[%add3A, %dma_start3A_805, %dma_start3A_813, %dma_start3A_814] : memref<32x7x2000x128xf32, #tpu.memory_space<hbm>> -> memref<1x1x500x128xf32, #tpu.memory_space<hbm>>
    %dma_start3A_816 = tpu.memref_squeeze %dma_start3A_815 : memref<1x1x500x128xf32, #tpu.memory_space<hbm>> -> memref<500x128xf32, #tpu.memory_space<hbm>>
    %dma_start3A_817 = arith.constant 2 : i32
    %dma_start3A_818 = arith.constant 0 : i32
    %dma_start3A_819 = tpu.memref_slice %arg4[%dma_start3A_817, %dma_start3A_818] : memref<506x128xf32, #tpu.memory_space<vmem>> -> memref<500x128xf32, #tpu.memory_space<vmem>>
    tpu.enqueue_dma source(%dma_start3A_819 : memref<500x128xf32, #tpu.memory_space<vmem>>) target(%dma_start3A_816 : memref<500x128xf32, #tpu.memory_space<hbm>>) target_semaphore(%arg7 : memref<!tpu.dma_semaphore, #tpu.memory_space<semaphore_mem>>)
    %dma_start3A_820 = arith.constant 3 : i32
    %dma_start3A_821 = arith.constant 3 : i32
    %dma_start3A_822 = arith.constant 0 : i32
    %dma_start3A_823 = tpu.memref_slice %arg4[%dma_start3A_821, %dma_start3A_822] : memref<506x128xf32, #tpu.memory_space<vmem>> -> memref<500x128xf32, #tpu.memory_space<vmem>>
    %dma_start3A_824 = arith.constant 1000 : i32
    %dma_start3A_825 = arith.constant 0 : i32
    %dma_start3A_826 = tpu.memref_slice %arg3[%add3A, %dma_start3A_820, %dma_start3A_824, %dma_start3A_825] : memref<32x7x2000x128xf32, #tpu.memory_space<hbm>> -> memref<1x1x500x128xf32, #tpu.memory_space<hbm>>
    %dma_start3A_827 = tpu.memref_squeeze %dma_start3A_826 : memref<1x1x500x128xf32, #tpu.memory_space<hbm>> -> memref<500x128xf32, #tpu.memory_space<hbm>>
    %dma_start3A_828 = arith.constant 1000 : i32
    %dma_start3A_829 = arith.constant 0 : i32
    %dma_start3A_830 = tpu.memref_slice %arg3[%add3A, %dma_start3A_820, %dma_start3A_828, %dma_start3A_829] : memref<32x7x2000x128xf32, #tpu.memory_space<hbm>> -> memref<1x1x500x128xf32, #tpu.memory_space<hbm>>
    %dma_start3A_831 = tpu.memref_squeeze %dma_start3A_830 : memref<1x1x500x128xf32, #tpu.memory_space<hbm>> -> memref<500x128xf32, #tpu.memory_space<hbm>>
    %dma_start3A_832 = arith.constant 3 : i32
    %dma_start3A_833 = arith.constant 0 : i32
    %dma_start3A_834 = tpu.memref_slice %arg4[%dma_start3A_832, %dma_start3A_833] : memref<506x128xf32, #tpu.memory_space<vmem>> -> memref<500x128xf32, #tpu.memory_space<vmem>>
    tpu.enqueue_dma source(%dma_start3A_834 : memref<500x128xf32, #tpu.memory_space<vmem>>) target(%dma_start3A_831 : memref<500x128xf32, #tpu.memory_space<hbm>>) target_semaphore(%arg7 : memref<!tpu.dma_semaphore, #tpu.memory_space<semaphore_mem>>)
    %dma_start3A_835 = arith.constant 4 : i32
    %dma_start3A_836 = arith.constant 4 : i32
    %dma_start3A_837 = arith.constant 0 : i32
    %dma_start3A_838 = tpu.memref_slice %arg4[%dma_start3A_836, %dma_start3A_837] : memref<506x128xf32, #tpu.memory_space<vmem>> -> memref<500x128xf32, #tpu.memory_space<vmem>>
    %dma_start3A_839 = arith.constant 1000 : i32
    %dma_start3A_840 = arith.constant 0 : i32
    %dma_start3A_841 = tpu.memref_slice %arg3[%add3A, %dma_start3A_835, %dma_start3A_839, %dma_start3A_840] : memref<32x7x2000x128xf32, #tpu.memory_space<hbm>> -> memref<1x1x500x128xf32, #tpu.memory_space<hbm>>
    %dma_start3A_842 = tpu.memref_squeeze %dma_start3A_841 : memref<1x1x500x128xf32, #tpu.memory_space<hbm>> -> memref<500x128xf32, #tpu.memory_space<hbm>>
    %dma_start3A_843 = arith.constant 1000 : i32
    %dma_start3A_844 = arith.constant 0 : i32
    %dma_start3A_845 = tpu.memref_slice %arg3[%add3A, %dma_start3A_835, %dma_start3A_843, %dma_start3A_844] : memref<32x7x2000x128xf32, #tpu.memory_space<hbm>> -> memref<1x1x500x128xf32, #tpu.memory_space<hbm>>
    %dma_start3A_846 = tpu.memref_squeeze %dma_start3A_845 : memref<1x1x500x128xf32, #tpu.memory_space<hbm>> -> memref<500x128xf32, #tpu.memory_space<hbm>>
    %dma_start3A_847 = arith.constant 4 : i32
    %dma_start3A_848 = arith.constant 0 : i32
    %dma_start3A_849 = tpu.memref_slice %arg4[%dma_start3A_847, %dma_start3A_848] : memref<506x128xf32, #tpu.memory_space<vmem>> -> memref<500x128xf32, #tpu.memory_space<vmem>>
    tpu.enqueue_dma source(%dma_start3A_849 : memref<500x128xf32, #tpu.memory_space<vmem>>) target(%dma_start3A_846 : memref<500x128xf32, #tpu.memory_space<hbm>>) target_semaphore(%arg7 : memref<!tpu.dma_semaphore, #tpu.memory_space<semaphore_mem>>)
    %dma_start3A_850 = arith.constant 5 : i32
    %dma_start3A_851 = arith.constant 5 : i32
    %dma_start3A_852 = arith.constant 0 : i32
    %dma_start3A_853 = tpu.memref_slice %arg4[%dma_start3A_851, %dma_start3A_852] : memref<506x128xf32, #tpu.memory_space<vmem>> -> memref<500x128xf32, #tpu.memory_space<vmem>>
    %dma_start3A_854 = arith.constant 1000 : i32
    %dma_start3A_855 = arith.constant 0 : i32
    %dma_start3A_856 = tpu.memref_slice %arg3[%add3A, %dma_start3A_850, %dma_start3A_854, %dma_start3A_855] : memref<32x7x2000x128xf32, #tpu.memory_space<hbm>> -> memref<1x1x500x128xf32, #tpu.memory_space<hbm>>
    %dma_start3A_857 = tpu.memref_squeeze %dma_start3A_856 : memref<1x1x500x128xf32, #tpu.memory_space<hbm>> -> memref<500x128xf32, #tpu.memory_space<hbm>>
    %dma_start3A_858 = arith.constant 1000 : i32
    %dma_start3A_859 = arith.constant 0 : i32
    %dma_start3A_860 = tpu.memref_slice %arg3[%add3A, %dma_start3A_850, %dma_start3A_858, %dma_start3A_859] : memref<32x7x2000x128xf32, #tpu.memory_space<hbm>> -> memref<1x1x500x128xf32, #tpu.memory_space<hbm>>
    %dma_start3A_861 = tpu.memref_squeeze %dma_start3A_860 : memref<1x1x500x128xf32, #tpu.memory_space<hbm>> -> memref<500x128xf32, #tpu.memory_space<hbm>>
    %dma_start3A_862 = arith.constant 5 : i32
    %dma_start3A_863 = arith.constant 0 : i32
    %dma_start3A_864 = tpu.memref_slice %arg4[%dma_start3A_862, %dma_start3A_863] : memref<506x128xf32, #tpu.memory_space<vmem>> -> memref<500x128xf32, #tpu.memory_space<vmem>>
    tpu.enqueue_dma source(%dma_start3A_864 : memref<500x128xf32, #tpu.memory_space<vmem>>) target(%dma_start3A_861 : memref<500x128xf32, #tpu.memory_space<hbm>>) target_semaphore(%arg7 : memref<!tpu.dma_semaphore, #tpu.memory_space<semaphore_mem>>)
    %dma_start3A_865 = arith.constant 6 : i32
    %dma_start3A_866 = arith.constant 6 : i32
    %dma_start3A_867 = arith.constant 0 : i32
    %dma_start3A_868 = tpu.memref_slice %arg4[%dma_start3A_866, %dma_start3A_867] : memref<506x128xf32, #tpu.memory_space<vmem>> -> memref<500x128xf32, #tpu.memory_space<vmem>>
    %dma_start3A_869 = arith.constant 1000 : i32
    %dma_start3A_870 = arith.constant 0 : i32
    %dma_start3A_871 = tpu.memref_slice %arg3[%add3A, %dma_start3A_865, %dma_start3A_869, %dma_start3A_870] : memref<32x7x2000x128xf32, #tpu.memory_space<hbm>> -> memref<1x1x500x128xf32, #tpu.memory_space<hbm>>
    %dma_start3A_872 = tpu.memref_squeeze %dma_start3A_871 : memref<1x1x500x128xf32, #tpu.memory_space<hbm>> -> memref<500x128xf32, #tpu.memory_space<hbm>>
    %dma_start3A_873 = arith.constant 1000 : i32
    %dma_start3A_874 = arith.constant 0 : i32
    %dma_start3A_875 = tpu.memref_slice %arg3[%add3A, %dma_start3A_865, %dma_start3A_873, %dma_start3A_874] : memref<32x7x2000x128xf32, #tpu.memory_space<hbm>> -> memref<1x1x500x128xf32, #tpu.memory_space<hbm>>
    %dma_start3A_876 = tpu.memref_squeeze %dma_start3A_875 : memref<1x1x500x128xf32, #tpu.memory_space<hbm>> -> memref<500x128xf32, #tpu.memory_space<hbm>>
    %dma_start3A_877 = arith.constant 6 : i32
    %dma_start3A_878 = arith.constant 0 : i32
    %dma_start3A_879 = tpu.memref_slice %arg4[%dma_start3A_877, %dma_start3A_878] : memref<506x128xf32, #tpu.memory_space<vmem>> -> memref<500x128xf32, #tpu.memory_space<vmem>>
    tpu.enqueue_dma source(%dma_start3A_879 : memref<500x128xf32, #tpu.memory_space<vmem>>) target(%dma_start3A_876 : memref<500x128xf32, #tpu.memory_space<hbm>>) target_semaphore(%arg7 : memref<!tpu.dma_semaphore, #tpu.memory_space<semaphore_mem>>)
    %dma_wait3A_880 = arith.constant 1494 : i32
    %dma_wait3A_881 = arith.constant 0 : i32
    %dma_wait3A_882 = tpu.memref_slice %arg2[%add3A, %dma_wait3A_880, %dma_wait3A_881] : memref<32x2000x128xf32, #tpu.memory_space<hbm>> -> memref<1x506x128xf32, #tpu.memory_space<hbm>>
    %dma_wait3A_883 = tpu.memref_squeeze %dma_wait3A_882 : memref<1x506x128xf32, #tpu.memory_space<hbm>> -> memref<506x128xf32, #tpu.memory_space<hbm>>
    %dma_wait3A_884 = arith.constant 1494 : i32
    %dma_wait3A_885 = arith.constant 0 : i32
    %dma_wait3A_886 = tpu.memref_slice %arg2[%add3A, %dma_wait3A_884, %dma_wait3A_885] : memref<32x2000x128xf32, #tpu.memory_space<hbm>> -> memref<1x506x128xf32, #tpu.memory_space<hbm>>
    %dma_wait3A_887 = tpu.memref_squeeze %dma_wait3A_886 : memref<1x506x128xf32, #tpu.memory_space<hbm>> -> memref<506x128xf32, #tpu.memory_space<hbm>>
    tpu.wait_dma2 semaphore(%arg6 : memref<!tpu.dma_semaphore, #tpu.memory_space<semaphore_mem>>) src(%dma_wait3A_887 : memref<506x128xf32, #tpu.memory_space<hbm>>) dst(%arg5 : memref<506x128xf32, #tpu.memory_space<vmem>>)
    %dma_start3A_888 = arith.constant 0 : i32
    %dma_start3A_889 = arith.constant 0 : i32
    %dma_start3A_890 = arith.constant 0 : i32
    %dma_start3A_891 = tpu.memref_slice %arg5[%dma_start3A_889, %dma_start3A_890] : memref<506x128xf32, #tpu.memory_space<vmem>> -> memref<500x128xf32, #tpu.memory_space<vmem>>
    %dma_start3A_892 = arith.constant 1500 : i32
    %dma_start3A_893 = arith.constant 0 : i32
    %dma_start3A_894 = tpu.memref_slice %arg3[%add3A, %dma_start3A_888, %dma_start3A_892, %dma_start3A_893] : memref<32x7x2000x128xf32, #tpu.memory_space<hbm>> -> memref<1x1x500x128xf32, #tpu.memory_space<hbm>>
    %dma_start3A_895 = tpu.memref_squeeze %dma_start3A_894 : memref<1x1x500x128xf32, #tpu.memory_space<hbm>> -> memref<500x128xf32, #tpu.memory_space<hbm>>
    %dma_start3A_896 = arith.constant 1500 : i32
    %dma_start3A_897 = arith.constant 0 : i32
    %dma_start3A_898 = tpu.memref_slice %arg3[%add3A, %dma_start3A_888, %dma_start3A_896, %dma_start3A_897] : memref<32x7x2000x128xf32, #tpu.memory_space<hbm>> -> memref<1x1x500x128xf32, #tpu.memory_space<hbm>>
    %dma_start3A_899 = tpu.memref_squeeze %dma_start3A_898 : memref<1x1x500x128xf32, #tpu.memory_space<hbm>> -> memref<500x128xf32, #tpu.memory_space<hbm>>
    %dma_start3A_900 = arith.constant 0 : i32
    %dma_start3A_901 = arith.constant 0 : i32
    %dma_start3A_902 = tpu.memref_slice %arg5[%dma_start3A_900, %dma_start3A_901] : memref<506x128xf32, #tpu.memory_space<vmem>> -> memref<500x128xf32, #tpu.memory_space<vmem>>
    tpu.enqueue_dma source(%dma_start3A_902 : memref<500x128xf32, #tpu.memory_space<vmem>>) target(%dma_start3A_899 : memref<500x128xf32, #tpu.memory_space<hbm>>) target_semaphore(%arg8 : memref<!tpu.dma_semaphore, #tpu.memory_space<semaphore_mem>>)
    %dma_start3A_903 = arith.constant 1 : i32
    %dma_start3A_904 = arith.constant 1 : i32
    %dma_start3A_905 = arith.constant 0 : i32
    %dma_start3A_906 = tpu.memref_slice %arg5[%dma_start3A_904, %dma_start3A_905] : memref<506x128xf32, #tpu.memory_space<vmem>> -> memref<500x128xf32, #tpu.memory_space<vmem>>
    %dma_start3A_907 = arith.constant 1500 : i32
    %dma_start3A_908 = arith.constant 0 : i32
    %dma_start3A_909 = tpu.memref_slice %arg3[%add3A, %dma_start3A_903, %dma_start3A_907, %dma_start3A_908] : memref<32x7x2000x128xf32, #tpu.memory_space<hbm>> -> memref<1x1x500x128xf32, #tpu.memory_space<hbm>>
    %dma_start3A_910 = tpu.memref_squeeze %dma_start3A_909 : memref<1x1x500x128xf32, #tpu.memory_space<hbm>> -> memref<500x128xf32, #tpu.memory_space<hbm>>
    %dma_start3A_911 = arith.constant 1500 : i32
    %dma_start3A_912 = arith.constant 0 : i32
    %dma_start3A_913 = tpu.memref_slice %arg3[%add3A, %dma_start3A_903, %dma_start3A_911, %dma_start3A_912] : memref<32x7x2000x128xf32, #tpu.memory_space<hbm>> -> memref<1x1x500x128xf32, #tpu.memory_space<hbm>>
    %dma_start3A_914 = tpu.memref_squeeze %dma_start3A_913 : memref<1x1x500x128xf32, #tpu.memory_space<hbm>> -> memref<500x128xf32, #tpu.memory_space<hbm>>
    %dma_start3A_915 = arith.constant 1 : i32
    %dma_start3A_916 = arith.constant 0 : i32
    %dma_start3A_917 = tpu.memref_slice %arg5[%dma_start3A_915, %dma_start3A_916] : memref<506x128xf32, #tpu.memory_space<vmem>> -> memref<500x128xf32, #tpu.memory_space<vmem>>
    tpu.enqueue_dma source(%dma_start3A_917 : memref<500x128xf32, #tpu.memory_space<vmem>>) target(%dma_start3A_914 : memref<500x128xf32, #tpu.memory_space<hbm>>) target_semaphore(%arg8 : memref<!tpu.dma_semaphore, #tpu.memory_space<semaphore_mem>>)
    %dma_start3A_918 = arith.constant 2 : i32
    %dma_start3A_919 = arith.constant 2 : i32
    %dma_start3A_920 = arith.constant 0 : i32
    %dma_start3A_921 = tpu.memref_slice %arg5[%dma_start3A_919, %dma_start3A_920] : memref<506x128xf32, #tpu.memory_space<vmem>> -> memref<500x128xf32, #tpu.memory_space<vmem>>
    %dma_start3A_922 = arith.constant 1500 : i32
    %dma_start3A_923 = arith.constant 0 : i32
    %dma_start3A_924 = tpu.memref_slice %arg3[%add3A, %dma_start3A_918, %dma_start3A_922, %dma_start3A_923] : memref<32x7x2000x128xf32, #tpu.memory_space<hbm>> -> memref<1x1x500x128xf32, #tpu.memory_space<hbm>>
    %dma_start3A_925 = tpu.memref_squeeze %dma_start3A_924 : memref<1x1x500x128xf32, #tpu.memory_space<hbm>> -> memref<500x128xf32, #tpu.memory_space<hbm>>
    %dma_start3A_926 = arith.constant 1500 : i32
    %dma_start3A_927 = arith.constant 0 : i32
    %dma_start3A_928 = tpu.memref_slice %arg3[%add3A, %dma_start3A_918, %dma_start3A_926, %dma_start3A_927] : memref<32x7x2000x128xf32, #tpu.memory_space<hbm>> -> memref<1x1x500x128xf32, #tpu.memory_space<hbm>>
    %dma_start3A_929 = tpu.memref_squeeze %dma_start3A_928 : memref<1x1x500x128xf32, #tpu.memory_space<hbm>> -> memref<500x128xf32, #tpu.memory_space<hbm>>
    %dma_start3A_930 = arith.constant 2 : i32
    %dma_start3A_931 = arith.constant 0 : i32
    %dma_start3A_932 = tpu.memref_slice %arg5[%dma_start3A_930, %dma_start3A_931] : memref<506x128xf32, #tpu.memory_space<vmem>> -> memref<500x128xf32, #tpu.memory_space<vmem>>
    tpu.enqueue_dma source(%dma_start3A_932 : memref<500x128xf32, #tpu.memory_space<vmem>>) target(%dma_start3A_929 : memref<500x128xf32, #tpu.memory_space<hbm>>) target_semaphore(%arg8 : memref<!tpu.dma_semaphore, #tpu.memory_space<semaphore_mem>>)
    %dma_start3A_933 = arith.constant 3 : i32
    %dma_start3A_934 = arith.constant 3 : i32
    %dma_start3A_935 = arith.constant 0 : i32
    %dma_start3A_936 = tpu.memref_slice %arg5[%dma_start3A_934, %dma_start3A_935] : memref<506x128xf32, #tpu.memory_space<vmem>> -> memref<500x128xf32, #tpu.memory_space<vmem>>
    %dma_start3A_937 = arith.constant 1500 : i32
    %dma_start3A_938 = arith.constant 0 : i32
    %dma_start3A_939 = tpu.memref_slice %arg3[%add3A, %dma_start3A_933, %dma_start3A_937, %dma_start3A_938] : memref<32x7x2000x128xf32, #tpu.memory_space<hbm>> -> memref<1x1x500x128xf32, #tpu.memory_space<hbm>>
    %dma_start3A_940 = tpu.memref_squeeze %dma_start3A_939 : memref<1x1x500x128xf32, #tpu.memory_space<hbm>> -> memref<500x128xf32, #tpu.memory_space<hbm>>
    %dma_start3A_941 = arith.constant 1500 : i32
    %dma_start3A_942 = arith.constant 0 : i32
    %dma_start3A_943 = tpu.memref_slice %arg3[%add3A, %dma_start3A_933, %dma_start3A_941, %dma_start3A_942] : memref<32x7x2000x128xf32, #tpu.memory_space<hbm>> -> memref<1x1x500x128xf32, #tpu.memory_space<hbm>>
    %dma_start3A_944 = tpu.memref_squeeze %dma_start3A_943 : memref<1x1x500x128xf32, #tpu.memory_space<hbm>> -> memref<500x128xf32, #tpu.memory_space<hbm>>
    %dma_start3A_945 = arith.constant 3 : i32
    %dma_start3A_946 = arith.constant 0 : i32
    %dma_start3A_947 = tpu.memref_slice %arg5[%dma_start3A_945, %dma_start3A_946] : memref<506x128xf32, #tpu.memory_space<vmem>> -> memref<500x128xf32, #tpu.memory_space<vmem>>
    tpu.enqueue_dma source(%dma_start3A_947 : memref<500x128xf32, #tpu.memory_space<vmem>>) target(%dma_start3A_944 : memref<500x128xf32, #tpu.memory_space<hbm>>) target_semaphore(%arg8 : memref<!tpu.dma_semaphore, #tpu.memory_space<semaphore_mem>>)
    %dma_start3A_948 = arith.constant 4 : i32
    %dma_start3A_949 = arith.constant 4 : i32
    %dma_start3A_950 = arith.constant 0 : i32
    %dma_start3A_951 = tpu.memref_slice %arg5[%dma_start3A_949, %dma_start3A_950] : memref<506x128xf32, #tpu.memory_space<vmem>> -> memref<500x128xf32, #tpu.memory_space<vmem>>
    %dma_start3A_952 = arith.constant 1500 : i32
    %dma_start3A_953 = arith.constant 0 : i32
    %dma_start3A_954 = tpu.memref_slice %arg3[%add3A, %dma_start3A_948, %dma_start3A_952, %dma_start3A_953] : memref<32x7x2000x128xf32, #tpu.memory_space<hbm>> -> memref<1x1x500x128xf32, #tpu.memory_space<hbm>>
    %dma_start3A_955 = tpu.memref_squeeze %dma_start3A_954 : memref<1x1x500x128xf32, #tpu.memory_space<hbm>> -> memref<500x128xf32, #tpu.memory_space<hbm>>
    %dma_start3A_956 = arith.constant 1500 : i32
    %dma_start3A_957 = arith.constant 0 : i32
    %dma_start3A_958 = tpu.memref_slice %arg3[%add3A, %dma_start3A_948, %dma_start3A_956, %dma_start3A_957] : memref<32x7x2000x128xf32, #tpu.memory_space<hbm>> -> memref<1x1x500x128xf32, #tpu.memory_space<hbm>>
    %dma_start3A_959 = tpu.memref_squeeze %dma_start3A_958 : memref<1x1x500x128xf32, #tpu.memory_space<hbm>> -> memref<500x128xf32, #tpu.memory_space<hbm>>
    %dma_start3A_960 = arith.constant 4 : i32
    %dma_start3A_961 = arith.constant 0 : i32
    %dma_start3A_962 = tpu.memref_slice %arg5[%dma_start3A_960, %dma_start3A_961] : memref<506x128xf32, #tpu.memory_space<vmem>> -> memref<500x128xf32, #tpu.memory_space<vmem>>
    tpu.enqueue_dma source(%dma_start3A_962 : memref<500x128xf32, #tpu.memory_space<vmem>>) target(%dma_start3A_959 : memref<500x128xf32, #tpu.memory_space<hbm>>) target_semaphore(%arg8 : memref<!tpu.dma_semaphore, #tpu.memory_space<semaphore_mem>>)
    %dma_start3A_963 = arith.constant 5 : i32
    %dma_start3A_964 = arith.constant 5 : i32
    %dma_start3A_965 = arith.constant 0 : i32
    %dma_start3A_966 = tpu.memref_slice %arg5[%dma_start3A_964, %dma_start3A_965] : memref<506x128xf32, #tpu.memory_space<vmem>> -> memref<500x128xf32, #tpu.memory_space<vmem>>
    %dma_start3A_967 = arith.constant 1500 : i32
    %dma_start3A_968 = arith.constant 0 : i32
    %dma_start3A_969 = tpu.memref_slice %arg3[%add3A, %dma_start3A_963, %dma_start3A_967, %dma_start3A_968] : memref<32x7x2000x128xf32, #tpu.memory_space<hbm>> -> memref<1x1x500x128xf32, #tpu.memory_space<hbm>>
    %dma_start3A_970 = tpu.memref_squeeze %dma_start3A_969 : memref<1x1x500x128xf32, #tpu.memory_space<hbm>> -> memref<500x128xf32, #tpu.memory_space<hbm>>
    %dma_start3A_971 = arith.constant 1500 : i32
    %dma_start3A_972 = arith.constant 0 : i32
    %dma_start3A_973 = tpu.memref_slice %arg3[%add3A, %dma_start3A_963, %dma_start3A_971, %dma_start3A_972] : memref<32x7x2000x128xf32, #tpu.memory_space<hbm>> -> memref<1x1x500x128xf32, #tpu.memory_space<hbm>>
    %dma_start3A_974 = tpu.memref_squeeze %dma_start3A_973 : memref<1x1x500x128xf32, #tpu.memory_space<hbm>> -> memref<500x128xf32, #tpu.memory_space<hbm>>
    %dma_start3A_975 = arith.constant 5 : i32
    %dma_start3A_976 = arith.constant 0 : i32
    %dma_start3A_977 = tpu.memref_slice %arg5[%dma_start3A_975, %dma_start3A_976] : memref<506x128xf32, #tpu.memory_space<vmem>> -> memref<500x128xf32, #tpu.memory_space<vmem>>
    tpu.enqueue_dma source(%dma_start3A_977 : memref<500x128xf32, #tpu.memory_space<vmem>>) target(%dma_start3A_974 : memref<500x128xf32, #tpu.memory_space<hbm>>) target_semaphore(%arg8 : memref<!tpu.dma_semaphore, #tpu.memory_space<semaphore_mem>>)
    %dma_start3A_978 = arith.constant 6 : i32
    %dma_start3A_979 = arith.constant 6 : i32
    %dma_start3A_980 = arith.constant 0 : i32
    %dma_start3A_981 = tpu.memref_slice %arg5[%dma_start3A_979, %dma_start3A_980] : memref<506x128xf32, #tpu.memory_space<vmem>> -> memref<500x128xf32, #tpu.memory_space<vmem>>
    %dma_start3A_982 = arith.constant 1500 : i32
    %dma_start3A_983 = arith.constant 0 : i32
    %dma_start3A_984 = tpu.memref_slice %arg3[%add3A, %dma_start3A_978, %dma_start3A_982, %dma_start3A_983] : memref<32x7x2000x128xf32, #tpu.memory_space<hbm>> -> memref<1x1x500x128xf32, #tpu.memory_space<hbm>>
    %dma_start3A_985 = tpu.memref_squeeze %dma_start3A_984 : memref<1x1x500x128xf32, #tpu.memory_space<hbm>> -> memref<500x128xf32, #tpu.memory_space<hbm>>
    %dma_start3A_986 = arith.constant 1500 : i32
    %dma_start3A_987 = arith.constant 0 : i32
    %dma_start3A_988 = tpu.memref_slice %arg3[%add3A, %dma_start3A_978, %dma_start3A_986, %dma_start3A_987] : memref<32x7x2000x128xf32, #tpu.memory_space<hbm>> -> memref<1x1x500x128xf32, #tpu.memory_space<hbm>>
    %dma_start3A_989 = tpu.memref_squeeze %dma_start3A_988 : memref<1x1x500x128xf32, #tpu.memory_space<hbm>> -> memref<500x128xf32, #tpu.memory_space<hbm>>
    %dma_start3A_990 = arith.constant 6 : i32
    %dma_start3A_991 = arith.constant 0 : i32
    %dma_start3A_992 = tpu.memref_slice %arg5[%dma_start3A_990, %dma_start3A_991] : memref<506x128xf32, #tpu.memory_space<vmem>> -> memref<500x128xf32, #tpu.memory_space<vmem>>
    tpu.enqueue_dma source(%dma_start3A_992 : memref<500x128xf32, #tpu.memory_space<vmem>>) target(%dma_start3A_989 : memref<500x128xf32, #tpu.memory_space<hbm>>) target_semaphore(%arg8 : memref<!tpu.dma_semaphore, #tpu.memory_space<semaphore_mem>>)
    %dma_wait3A_993 = arith.constant 0 : i32
    %dma_wait3A_994 = arith.constant 0 : i32
    %dma_wait3A_995 = arith.constant 0 : i32
    %dma_wait3A_996 = tpu.memref_slice %arg4[%dma_wait3A_994, %dma_wait3A_995] : memref<506x128xf32, #tpu.memory_space<vmem>> -> memref<500x128xf32, #tpu.memory_space<vmem>>
    %dma_wait3A_997 = arith.constant 1000 : i32
    %dma_wait3A_998 = arith.constant 0 : i32
    %dma_wait3A_999 = tpu.memref_slice %arg3[%add3A, %dma_wait3A_993, %dma_wait3A_997, %dma_wait3A_998] : memref<32x7x2000x128xf32, #tpu.memory_space<hbm>> -> memref<1x1x500x128xf32, #tpu.memory_space<hbm>>
    %dma_wait3A_1000 = tpu.memref_squeeze %dma_wait3A_999 : memref<1x1x500x128xf32, #tpu.memory_space<hbm>> -> memref<500x128xf32, #tpu.memory_space<hbm>>
    %dma_wait3A_1001 = arith.constant 1000 : i32
    %dma_wait3A_1002 = arith.constant 0 : i32
    %dma_wait3A_1003 = tpu.memref_slice %arg3[%add3A, %dma_wait3A_993, %dma_wait3A_1001, %dma_wait3A_1002] : memref<32x7x2000x128xf32, #tpu.memory_space<hbm>> -> memref<1x1x500x128xf32, #tpu.memory_space<hbm>>
    %dma_wait3A_1004 = tpu.memref_squeeze %dma_wait3A_1003 : memref<1x1x500x128xf32, #tpu.memory_space<hbm>> -> memref<500x128xf32, #tpu.memory_space<hbm>>
    %dma_wait3A_1005 = arith.constant 0 : i32
    %dma_wait3A_1006 = arith.constant 0 : i32
    %dma_wait3A_1007 = tpu.memref_slice %arg4[%dma_wait3A_1005, %dma_wait3A_1006] : memref<506x128xf32, #tpu.memory_space<vmem>> -> memref<500x128xf32, #tpu.memory_space<vmem>>
    tpu.wait_dma2 semaphore(%arg7 : memref<!tpu.dma_semaphore, #tpu.memory_space<semaphore_mem>>) src(%dma_wait3A_1007 : memref<500x128xf32, #tpu.memory_space<vmem>>) dst(%dma_wait3A_1004 : memref<500x128xf32, #tpu.memory_space<hbm>>)
    %dma_wait3A_1008 = arith.constant 1 : i32
    %dma_wait3A_1009 = arith.constant 1 : i32
    %dma_wait3A_1010 = arith.constant 0 : i32
    %dma_wait3A_1011 = tpu.memref_slice %arg4[%dma_wait3A_1009, %dma_wait3A_1010] : memref<506x128xf32, #tpu.memory_space<vmem>> -> memref<500x128xf32, #tpu.memory_space<vmem>>
    %dma_wait3A_1012 = arith.constant 1000 : i32
    %dma_wait3A_1013 = arith.constant 0 : i32
    %dma_wait3A_1014 = tpu.memref_slice %arg3[%add3A, %dma_wait3A_1008, %dma_wait3A_1012, %dma_wait3A_1013] : memref<32x7x2000x128xf32, #tpu.memory_space<hbm>> -> memref<1x1x500x128xf32, #tpu.memory_space<hbm>>
    %dma_wait3A_1015 = tpu.memref_squeeze %dma_wait3A_1014 : memref<1x1x500x128xf32, #tpu.memory_space<hbm>> -> memref<500x128xf32, #tpu.memory_space<hbm>>
    %dma_wait3A_1016 = arith.constant 1000 : i32
    %dma_wait3A_1017 = arith.constant 0 : i32
    %dma_wait3A_1018 = tpu.memref_slice %arg3[%add3A, %dma_wait3A_1008, %dma_wait3A_1016, %dma_wait3A_1017] : memref<32x7x2000x128xf32, #tpu.memory_space<hbm>> -> memref<1x1x500x128xf32, #tpu.memory_space<hbm>>
    %dma_wait3A_1019 = tpu.memref_squeeze %dma_wait3A_1018 : memref<1x1x500x128xf32, #tpu.memory_space<hbm>> -> memref<500x128xf32, #tpu.memory_space<hbm>>
    %dma_wait3A_1020 = arith.constant 1 : i32
    %dma_wait3A_1021 = arith.constant 0 : i32
    %dma_wait3A_1022 = tpu.memref_slice %arg4[%dma_wait3A_1020, %dma_wait3A_1021] : memref<506x128xf32, #tpu.memory_space<vmem>> -> memref<500x128xf32, #tpu.memory_space<vmem>>
    tpu.wait_dma2 semaphore(%arg7 : memref<!tpu.dma_semaphore, #tpu.memory_space<semaphore_mem>>) src(%dma_wait3A_1022 : memref<500x128xf32, #tpu.memory_space<vmem>>) dst(%dma_wait3A_1019 : memref<500x128xf32, #tpu.memory_space<hbm>>)
    %dma_wait3A_1023 = arith.constant 2 : i32
    %dma_wait3A_1024 = arith.constant 2 : i32
    %dma_wait3A_1025 = arith.constant 0 : i32
    %dma_wait3A_1026 = tpu.memref_slice %arg4[%dma_wait3A_1024, %dma_wait3A_1025] : memref<506x128xf32, #tpu.memory_space<vmem>> -> memref<500x128xf32, #tpu.memory_space<vmem>>
    %dma_wait3A_1027 = arith.constant 1000 : i32
    %dma_wait3A_1028 = arith.constant 0 : i32
    %dma_wait3A_1029 = tpu.memref_slice %arg3[%add3A, %dma_wait3A_1023, %dma_wait3A_1027, %dma_wait3A_1028] : memref<32x7x2000x128xf32, #tpu.memory_space<hbm>> -> memref<1x1x500x128xf32, #tpu.memory_space<hbm>>
    %dma_wait3A_1030 = tpu.memref_squeeze %dma_wait3A_1029 : memref<1x1x500x128xf32, #tpu.memory_space<hbm>> -> memref<500x128xf32, #tpu.memory_space<hbm>>
    %dma_wait3A_1031 = arith.constant 1000 : i32
    %dma_wait3A_1032 = arith.constant 0 : i32
    %dma_wait3A_1033 = tpu.memref_slice %arg3[%add3A, %dma_wait3A_1023, %dma_wait3A_1031, %dma_wait3A_1032] : memref<32x7x2000x128xf32, #tpu.memory_space<hbm>> -> memref<1x1x500x128xf32, #tpu.memory_space<hbm>>
    %dma_wait3A_1034 = tpu.memref_squeeze %dma_wait3A_1033 : memref<1x1x500x128xf32, #tpu.memory_space<hbm>> -> memref<500x128xf32, #tpu.memory_space<hbm>>
    %dma_wait3A_1035 = arith.constant 2 : i32
    %dma_wait3A_1036 = arith.constant 0 : i32
    %dma_wait3A_1037 = tpu.memref_slice %arg4[%dma_wait3A_1035, %dma_wait3A_1036] : memref<506x128xf32, #tpu.memory_space<vmem>> -> memref<500x128xf32, #tpu.memory_space<vmem>>
    tpu.wait_dma2 semaphore(%arg7 : memref<!tpu.dma_semaphore, #tpu.memory_space<semaphore_mem>>) src(%dma_wait3A_1037 : memref<500x128xf32, #tpu.memory_space<vmem>>) dst(%dma_wait3A_1034 : memref<500x128xf32, #tpu.memory_space<hbm>>)
    %dma_wait3A_1038 = arith.constant 3 : i32
    %dma_wait3A_1039 = arith.constant 3 : i32
    %dma_wait3A_1040 = arith.constant 0 : i32
    %dma_wait3A_1041 = tpu.memref_slice %arg4[%dma_wait3A_1039, %dma_wait3A_1040] : memref<506x128xf32, #tpu.memory_space<vmem>> -> memref<500x128xf32, #tpu.memory_space<vmem>>
    %dma_wait3A_1042 = arith.constant 1000 : i32
    %dma_wait3A_1043 = arith.constant 0 : i32
    %dma_wait3A_1044 = tpu.memref_slice %arg3[%add3A, %dma_wait3A_1038, %dma_wait3A_1042, %dma_wait3A_1043] : memref<32x7x2000x128xf32, #tpu.memory_space<hbm>> -> memref<1x1x500x128xf32, #tpu.memory_space<hbm>>
    %dma_wait3A_1045 = tpu.memref_squeeze %dma_wait3A_1044 : memref<1x1x500x128xf32, #tpu.memory_space<hbm>> -> memref<500x128xf32, #tpu.memory_space<hbm>>
    %dma_wait3A_1046 = arith.constant 1000 : i32
    %dma_wait3A_1047 = arith.constant 0 : i32
    %dma_wait3A_1048 = tpu.memref_slice %arg3[%add3A, %dma_wait3A_1038, %dma_wait3A_1046, %dma_wait3A_1047] : memref<32x7x2000x128xf32, #tpu.memory_space<hbm>> -> memref<1x1x500x128xf32, #tpu.memory_space<hbm>>
    %dma_wait3A_1049 = tpu.memref_squeeze %dma_wait3A_1048 : memref<1x1x500x128xf32, #tpu.memory_space<hbm>> -> memref<500x128xf32, #tpu.memory_space<hbm>>
    %dma_wait3A_1050 = arith.constant 3 : i32
    %dma_wait3A_1051 = arith.constant 0 : i32
    %dma_wait3A_1052 = tpu.memref_slice %arg4[%dma_wait3A_1050, %dma_wait3A_1051] : memref<506x128xf32, #tpu.memory_space<vmem>> -> memref<500x128xf32, #tpu.memory_space<vmem>>
    tpu.wait_dma2 semaphore(%arg7 : memref<!tpu.dma_semaphore, #tpu.memory_space<semaphore_mem>>) src(%dma_wait3A_1052 : memref<500x128xf32, #tpu.memory_space<vmem>>) dst(%dma_wait3A_1049 : memref<500x128xf32, #tpu.memory_space<hbm>>)
    %dma_wait3A_1053 = arith.constant 4 : i32
    %dma_wait3A_1054 = arith.constant 4 : i32
    %dma_wait3A_1055 = arith.constant 0 : i32
    %dma_wait3A_1056 = tpu.memref_slice %arg4[%dma_wait3A_1054, %dma_wait3A_1055] : memref<506x128xf32, #tpu.memory_space<vmem>> -> memref<500x128xf32, #tpu.memory_space<vmem>>
    %dma_wait3A_1057 = arith.constant 1000 : i32
    %dma_wait3A_1058 = arith.constant 0 : i32
    %dma_wait3A_1059 = tpu.memref_slice %arg3[%add3A, %dma_wait3A_1053, %dma_wait3A_1057, %dma_wait3A_1058] : memref<32x7x2000x128xf32, #tpu.memory_space<hbm>> -> memref<1x1x500x128xf32, #tpu.memory_space<hbm>>
    %dma_wait3A_1060 = tpu.memref_squeeze %dma_wait3A_1059 : memref<1x1x500x128xf32, #tpu.memory_space<hbm>> -> memref<500x128xf32, #tpu.memory_space<hbm>>
    %dma_wait3A_1061 = arith.constant 1000 : i32
    %dma_wait3A_1062 = arith.constant 0 : i32
    %dma_wait3A_1063 = tpu.memref_slice %arg3[%add3A, %dma_wait3A_1053, %dma_wait3A_1061, %dma_wait3A_1062] : memref<32x7x2000x128xf32, #tpu.memory_space<hbm>> -> memref<1x1x500x128xf32, #tpu.memory_space<hbm>>
    %dma_wait3A_1064 = tpu.memref_squeeze %dma_wait3A_1063 : memref<1x1x500x128xf32, #tpu.memory_space<hbm>> -> memref<500x128xf32, #tpu.memory_space<hbm>>
    %dma_wait3A_1065 = arith.constant 4 : i32
    %dma_wait3A_1066 = arith.constant 0 : i32
    %dma_wait3A_1067 = tpu.memref_slice %arg4[%dma_wait3A_1065, %dma_wait3A_1066] : memref<506x128xf32, #tpu.memory_space<vmem>> -> memref<500x128xf32, #tpu.memory_space<vmem>>
    tpu.wait_dma2 semaphore(%arg7 : memref<!tpu.dma_semaphore, #tpu.memory_space<semaphore_mem>>) src(%dma_wait3A_1067 : memref<500x128xf32, #tpu.memory_space<vmem>>) dst(%dma_wait3A_1064 : memref<500x128xf32, #tpu.memory_space<hbm>>)
    %dma_wait3A_1068 = arith.constant 5 : i32
    %dma_wait3A_1069 = arith.constant 5 : i32
    %dma_wait3A_1070 = arith.constant 0 : i32
    %dma_wait3A_1071 = tpu.memref_slice %arg4[%dma_wait3A_1069, %dma_wait3A_1070] : memref<506x128xf32, #tpu.memory_space<vmem>> -> memref<500x128xf32, #tpu.memory_space<vmem>>
    %dma_wait3A_1072 = arith.constant 1000 : i32
    %dma_wait3A_1073 = arith.constant 0 : i32
    %dma_wait3A_1074 = tpu.memref_slice %arg3[%add3A, %dma_wait3A_1068, %dma_wait3A_1072, %dma_wait3A_1073] : memref<32x7x2000x128xf32, #tpu.memory_space<hbm>> -> memref<1x1x500x128xf32, #tpu.memory_space<hbm>>
    %dma_wait3A_1075 = tpu.memref_squeeze %dma_wait3A_1074 : memref<1x1x500x128xf32, #tpu.memory_space<hbm>> -> memref<500x128xf32, #tpu.memory_space<hbm>>
    %dma_wait3A_1076 = arith.constant 1000 : i32
    %dma_wait3A_1077 = arith.constant 0 : i32
    %dma_wait3A_1078 = tpu.memref_slice %arg3[%add3A, %dma_wait3A_1068, %dma_wait3A_1076, %dma_wait3A_1077] : memref<32x7x2000x128xf32, #tpu.memory_space<hbm>> -> memref<1x1x500x128xf32, #tpu.memory_space<hbm>>
    %dma_wait3A_1079 = tpu.memref_squeeze %dma_wait3A_1078 : memref<1x1x500x128xf32, #tpu.memory_space<hbm>> -> memref<500x128xf32, #tpu.memory_space<hbm>>
    %dma_wait3A_1080 = arith.constant 5 : i32
    %dma_wait3A_1081 = arith.constant 0 : i32
    %dma_wait3A_1082 = tpu.memref_slice %arg4[%dma_wait3A_1080, %dma_wait3A_1081] : memref<506x128xf32, #tpu.memory_space<vmem>> -> memref<500x128xf32, #tpu.memory_space<vmem>>
    tpu.wait_dma2 semaphore(%arg7 : memref<!tpu.dma_semaphore, #tpu.memory_space<semaphore_mem>>) src(%dma_wait3A_1082 : memref<500x128xf32, #tpu.memory_space<vmem>>) dst(%dma_wait3A_1079 : memref<500x128xf32, #tpu.memory_space<hbm>>)
    %dma_wait3A_1083 = arith.constant 6 : i32
    %dma_wait3A_1084 = arith.constant 6 : i32
    %dma_wait3A_1085 = arith.constant 0 : i32
    %dma_wait3A_1086 = tpu.memref_slice %arg4[%dma_wait3A_1084, %dma_wait3A_1085] : memref<506x128xf32, #tpu.memory_space<vmem>> -> memref<500x128xf32, #tpu.memory_space<vmem>>
    %dma_wait3A_1087 = arith.constant 1000 : i32
    %dma_wait3A_1088 = arith.constant 0 : i32
    %dma_wait3A_1089 = tpu.memref_slice %arg3[%add3A, %dma_wait3A_1083, %dma_wait3A_1087, %dma_wait3A_1088] : memref<32x7x2000x128xf32, #tpu.memory_space<hbm>> -> memref<1x1x500x128xf32, #tpu.memory_space<hbm>>
    %dma_wait3A_1090 = tpu.memref_squeeze %dma_wait3A_1089 : memref<1x1x500x128xf32, #tpu.memory_space<hbm>> -> memref<500x128xf32, #tpu.memory_space<hbm>>
    %dma_wait3A_1091 = arith.constant 1000 : i32
    %dma_wait3A_1092 = arith.constant 0 : i32
    %dma_wait3A_1093 = tpu.memref_slice %arg3[%add3A, %dma_wait3A_1083, %dma_wait3A_1091, %dma_wait3A_1092] : memref<32x7x2000x128xf32, #tpu.memory_space<hbm>> -> memref<1x1x500x128xf32, #tpu.memory_space<hbm>>
    %dma_wait3A_1094 = tpu.memref_squeeze %dma_wait3A_1093 : memref<1x1x500x128xf32, #tpu.memory_space<hbm>> -> memref<500x128xf32, #tpu.memory_space<hbm>>
    %dma_wait3A_1095 = arith.constant 6 : i32
    %dma_wait3A_1096 = arith.constant 0 : i32
    %dma_wait3A_1097 = tpu.memref_slice %arg4[%dma_wait3A_1095, %dma_wait3A_1096] : memref<506x128xf32, #tpu.memory_space<vmem>> -> memref<500x128xf32, #tpu.memory_space<vmem>>
    tpu.wait_dma2 semaphore(%arg7 : memref<!tpu.dma_semaphore, #tpu.memory_space<semaphore_mem>>) src(%dma_wait3A_1097 : memref<500x128xf32, #tpu.memory_space<vmem>>) dst(%dma_wait3A_1094 : memref<500x128xf32, #tpu.memory_space<hbm>>)
    %dma_wait3A_1098 = arith.constant 0 : i32
    %dma_wait3A_1099 = arith.constant 0 : i32
    %dma_wait3A_1100 = arith.constant 0 : i32
    %dma_wait3A_1101 = tpu.memref_slice %arg5[%dma_wait3A_1099, %dma_wait3A_1100] : memref<506x128xf32, #tpu.memory_space<vmem>> -> memref<500x128xf32, #tpu.memory_space<vmem>>
    %dma_wait3A_1102 = arith.constant 1500 : i32
    %dma_wait3A_1103 = arith.constant 0 : i32
    %dma_wait3A_1104 = tpu.memref_slice %arg3[%add3A, %dma_wait3A_1098, %dma_wait3A_1102, %dma_wait3A_1103] : memref<32x7x2000x128xf32, #tpu.memory_space<hbm>> -> memref<1x1x500x128xf32, #tpu.memory_space<hbm>>
    %dma_wait3A_1105 = tpu.memref_squeeze %dma_wait3A_1104 : memref<1x1x500x128xf32, #tpu.memory_space<hbm>> -> memref<500x128xf32, #tpu.memory_space<hbm>>
    %dma_wait3A_1106 = arith.constant 1500 : i32
    %dma_wait3A_1107 = arith.constant 0 : i32
    %dma_wait3A_1108 = tpu.memref_slice %arg3[%add3A, %dma_wait3A_1098, %dma_wait3A_1106, %dma_wait3A_1107] : memref<32x7x2000x128xf32, #tpu.memory_space<hbm>> -> memref<1x1x500x128xf32, #tpu.memory_space<hbm>>
    %dma_wait3A_1109 = tpu.memref_squeeze %dma_wait3A_1108 : memref<1x1x500x128xf32, #tpu.memory_space<hbm>> -> memref<500x128xf32, #tpu.memory_space<hbm>>
    %dma_wait3A_1110 = arith.constant 0 : i32
    %dma_wait3A_1111 = arith.constant 0 : i32
    %dma_wait3A_1112 = tpu.memref_slice %arg5[%dma_wait3A_1110, %dma_wait3A_1111] : memref<506x128xf32, #tpu.memory_space<vmem>> -> memref<500x128xf32, #tpu.memory_space<vmem>>
    tpu.wait_dma2 semaphore(%arg8 : memref<!tpu.dma_semaphore, #tpu.memory_space<semaphore_mem>>) src(%dma_wait3A_1112 : memref<500x128xf32, #tpu.memory_space<vmem>>) dst(%dma_wait3A_1109 : memref<500x128xf32, #tpu.memory_space<hbm>>)
    %dma_wait3A_1113 = arith.constant 1 : i32
    %dma_wait3A_1114 = arith.constant 1 : i32
    %dma_wait3A_1115 = arith.constant 0 : i32
    %dma_wait3A_1116 = tpu.memref_slice %arg5[%dma_wait3A_1114, %dma_wait3A_1115] : memref<506x128xf32, #tpu.memory_space<vmem>> -> memref<500x128xf32, #tpu.memory_space<vmem>>
    %dma_wait3A_1117 = arith.constant 1500 : i32
    %dma_wait3A_1118 = arith.constant 0 : i32
    %dma_wait3A_1119 = tpu.memref_slice %arg3[%add3A, %dma_wait3A_1113, %dma_wait3A_1117, %dma_wait3A_1118] : memref<32x7x2000x128xf32, #tpu.memory_space<hbm>> -> memref<1x1x500x128xf32, #tpu.memory_space<hbm>>
    %dma_wait3A_1120 = tpu.memref_squeeze %dma_wait3A_1119 : memref<1x1x500x128xf32, #tpu.memory_space<hbm>> -> memref<500x128xf32, #tpu.memory_space<hbm>>
    %dma_wait3A_1121 = arith.constant 1500 : i32
    %dma_wait3A_1122 = arith.constant 0 : i32
    %dma_wait3A_1123 = tpu.memref_slice %arg3[%add3A, %dma_wait3A_1113, %dma_wait3A_1121, %dma_wait3A_1122] : memref<32x7x2000x128xf32, #tpu.memory_space<hbm>> -> memref<1x1x500x128xf32, #tpu.memory_space<hbm>>
    %dma_wait3A_1124 = tpu.memref_squeeze %dma_wait3A_1123 : memref<1x1x500x128xf32, #tpu.memory_space<hbm>> -> memref<500x128xf32, #tpu.memory_space<hbm>>
    %dma_wait3A_1125 = arith.constant 1 : i32
    %dma_wait3A_1126 = arith.constant 0 : i32
    %dma_wait3A_1127 = tpu.memref_slice %arg5[%dma_wait3A_1125, %dma_wait3A_1126] : memref<506x128xf32, #tpu.memory_space<vmem>> -> memref<500x128xf32, #tpu.memory_space<vmem>>
    tpu.wait_dma2 semaphore(%arg8 : memref<!tpu.dma_semaphore, #tpu.memory_space<semaphore_mem>>) src(%dma_wait3A_1127 : memref<500x128xf32, #tpu.memory_space<vmem>>) dst(%dma_wait3A_1124 : memref<500x128xf32, #tpu.memory_space<hbm>>)
    %dma_wait3A_1128 = arith.constant 2 : i32
    %dma_wait3A_1129 = arith.constant 2 : i32
    %dma_wait3A_1130 = arith.constant 0 : i32
    %dma_wait3A_1131 = tpu.memref_slice %arg5[%dma_wait3A_1129, %dma_wait3A_1130] : memref<506x128xf32, #tpu.memory_space<vmem>> -> memref<500x128xf32, #tpu.memory_space<vmem>>
    %dma_wait3A_1132 = arith.constant 1500 : i32
    %dma_wait3A_1133 = arith.constant 0 : i32
    %dma_wait3A_1134 = tpu.memref_slice %arg3[%add3A, %dma_wait3A_1128, %dma_wait3A_1132, %dma_wait3A_1133] : memref<32x7x2000x128xf32, #tpu.memory_space<hbm>> -> memref<1x1x500x128xf32, #tpu.memory_space<hbm>>
    %dma_wait3A_1135 = tpu.memref_squeeze %dma_wait3A_1134 : memref<1x1x500x128xf32, #tpu.memory_space<hbm>> -> memref<500x128xf32, #tpu.memory_space<hbm>>
    %dma_wait3A_1136 = arith.constant 1500 : i32
    %dma_wait3A_1137 = arith.constant 0 : i32
    %dma_wait3A_1138 = tpu.memref_slice %arg3[%add3A, %dma_wait3A_1128, %dma_wait3A_1136, %dma_wait3A_1137] : memref<32x7x2000x128xf32, #tpu.memory_space<hbm>> -> memref<1x1x500x128xf32, #tpu.memory_space<hbm>>
    %dma_wait3A_1139 = tpu.memref_squeeze %dma_wait3A_1138 : memref<1x1x500x128xf32, #tpu.memory_space<hbm>> -> memref<500x128xf32, #tpu.memory_space<hbm>>
    %dma_wait3A_1140 = arith.constant 2 : i32
    %dma_wait3A_1141 = arith.constant 0 : i32
    %dma_wait3A_1142 = tpu.memref_slice %arg5[%dma_wait3A_1140, %dma_wait3A_1141] : memref<506x128xf32, #tpu.memory_space<vmem>> -> memref<500x128xf32, #tpu.memory_space<vmem>>
    tpu.wait_dma2 semaphore(%arg8 : memref<!tpu.dma_semaphore, #tpu.memory_space<semaphore_mem>>) src(%dma_wait3A_1142 : memref<500x128xf32, #tpu.memory_space<vmem>>) dst(%dma_wait3A_1139 : memref<500x128xf32, #tpu.memory_space<hbm>>)
    %dma_wait3A_1143 = arith.constant 3 : i32
    %dma_wait3A_1144 = arith.constant 3 : i32
    %dma_wait3A_1145 = arith.constant 0 : i32
    %dma_wait3A_1146 = tpu.memref_slice %arg5[%dma_wait3A_1144, %dma_wait3A_1145] : memref<506x128xf32, #tpu.memory_space<vmem>> -> memref<500x128xf32, #tpu.memory_space<vmem>>
    %dma_wait3A_1147 = arith.constant 1500 : i32
    %dma_wait3A_1148 = arith.constant 0 : i32
    %dma_wait3A_1149 = tpu.memref_slice %arg3[%add3A, %dma_wait3A_1143, %dma_wait3A_1147, %dma_wait3A_1148] : memref<32x7x2000x128xf32, #tpu.memory_space<hbm>> -> memref<1x1x500x128xf32, #tpu.memory_space<hbm>>
    %dma_wait3A_1150 = tpu.memref_squeeze %dma_wait3A_1149 : memref<1x1x500x128xf32, #tpu.memory_space<hbm>> -> memref<500x128xf32, #tpu.memory_space<hbm>>
    %dma_wait3A_1151 = arith.constant 1500 : i32
    %dma_wait3A_1152 = arith.constant 0 : i32
    %dma_wait3A_1153 = tpu.memref_slice %arg3[%add3A, %dma_wait3A_1143, %dma_wait3A_1151, %dma_wait3A_1152] : memref<32x7x2000x128xf32, #tpu.memory_space<hbm>> -> memref<1x1x500x128xf32, #tpu.memory_space<hbm>>
    %dma_wait3A_1154 = tpu.memref_squeeze %dma_wait3A_1153 : memref<1x1x500x128xf32, #tpu.memory_space<hbm>> -> memref<500x128xf32, #tpu.memory_space<hbm>>
    %dma_wait3A_1155 = arith.constant 3 : i32
    %dma_wait3A_1156 = arith.constant 0 : i32
    %dma_wait3A_1157 = tpu.memref_slice %arg5[%dma_wait3A_1155, %dma_wait3A_1156] : memref<506x128xf32, #tpu.memory_space<vmem>> -> memref<500x128xf32, #tpu.memory_space<vmem>>
    tpu.wait_dma2 semaphore(%arg8 : memref<!tpu.dma_semaphore, #tpu.memory_space<semaphore_mem>>) src(%dma_wait3A_1157 : memref<500x128xf32, #tpu.memory_space<vmem>>) dst(%dma_wait3A_1154 : memref<500x128xf32, #tpu.memory_space<hbm>>)
    %dma_wait3A_1158 = arith.constant 4 : i32
    %dma_wait3A_1159 = arith.constant 4 : i32
    %dma_wait3A_1160 = arith.constant 0 : i32
    %dma_wait3A_1161 = tpu.memref_slice %arg5[%dma_wait3A_1159, %dma_wait3A_1160] : memref<506x128xf32, #tpu.memory_space<vmem>> -> memref<500x128xf32, #tpu.memory_space<vmem>>
    %dma_wait3A_1162 = arith.constant 1500 : i32
    %dma_wait3A_1163 = arith.constant 0 : i32
    %dma_wait3A_1164 = tpu.memref_slice %arg3[%add3A, %dma_wait3A_1158, %dma_wait3A_1162, %dma_wait3A_1163] : memref<32x7x2000x128xf32, #tpu.memory_space<hbm>> -> memref<1x1x500x128xf32, #tpu.memory_space<hbm>>
    %dma_wait3A_1165 = tpu.memref_squeeze %dma_wait3A_1164 : memref<1x1x500x128xf32, #tpu.memory_space<hbm>> -> memref<500x128xf32, #tpu.memory_space<hbm>>
    %dma_wait3A_1166 = arith.constant 1500 : i32
    %dma_wait3A_1167 = arith.constant 0 : i32
    %dma_wait3A_1168 = tpu.memref_slice %arg3[%add3A, %dma_wait3A_1158, %dma_wait3A_1166, %dma_wait3A_1167] : memref<32x7x2000x128xf32, #tpu.memory_space<hbm>> -> memref<1x1x500x128xf32, #tpu.memory_space<hbm>>
    %dma_wait3A_1169 = tpu.memref_squeeze %dma_wait3A_1168 : memref<1x1x500x128xf32, #tpu.memory_space<hbm>> -> memref<500x128xf32, #tpu.memory_space<hbm>>
    %dma_wait3A_1170 = arith.constant 4 : i32
    %dma_wait3A_1171 = arith.constant 0 : i32
    %dma_wait3A_1172 = tpu.memref_slice %arg5[%dma_wait3A_1170, %dma_wait3A_1171] : memref<506x128xf32, #tpu.memory_space<vmem>> -> memref<500x128xf32, #tpu.memory_space<vmem>>
    tpu.wait_dma2 semaphore(%arg8 : memref<!tpu.dma_semaphore, #tpu.memory_space<semaphore_mem>>) src(%dma_wait3A_1172 : memref<500x128xf32, #tpu.memory_space<vmem>>) dst(%dma_wait3A_1169 : memref<500x128xf32, #tpu.memory_space<hbm>>)
    %dma_wait3A_1173 = arith.constant 5 : i32
    %dma_wait3A_1174 = arith.constant 5 : i32
    %dma_wait3A_1175 = arith.constant 0 : i32
    %dma_wait3A_1176 = tpu.memref_slice %arg5[%dma_wait3A_1174, %dma_wait3A_1175] : memref<506x128xf32, #tpu.memory_space<vmem>> -> memref<500x128xf32, #tpu.memory_space<vmem>>
    %dma_wait3A_1177 = arith.constant 1500 : i32
    %dma_wait3A_1178 = arith.constant 0 : i32
    %dma_wait3A_1179 = tpu.memref_slice %arg3[%add3A, %dma_wait3A_1173, %dma_wait3A_1177, %dma_wait3A_1178] : memref<32x7x2000x128xf32, #tpu.memory_space<hbm>> -> memref<1x1x500x128xf32, #tpu.memory_space<hbm>>
    %dma_wait3A_1180 = tpu.memref_squeeze %dma_wait3A_1179 : memref<1x1x500x128xf32, #tpu.memory_space<hbm>> -> memref<500x128xf32, #tpu.memory_space<hbm>>
    %dma_wait3A_1181 = arith.constant 1500 : i32
    %dma_wait3A_1182 = arith.constant 0 : i32
    %dma_wait3A_1183 = tpu.memref_slice %arg3[%add3A, %dma_wait3A_1173, %dma_wait3A_1181, %dma_wait3A_1182] : memref<32x7x2000x128xf32, #tpu.memory_space<hbm>> -> memref<1x1x500x128xf32, #tpu.memory_space<hbm>>
    %dma_wait3A_1184 = tpu.memref_squeeze %dma_wait3A_1183 : memref<1x1x500x128xf32, #tpu.memory_space<hbm>> -> memref<500x128xf32, #tpu.memory_space<hbm>>
    %dma_wait3A_1185 = arith.constant 5 : i32
    %dma_wait3A_1186 = arith.constant 0 : i32
    %dma_wait3A_1187 = tpu.memref_slice %arg5[%dma_wait3A_1185, %dma_wait3A_1186] : memref<506x128xf32, #tpu.memory_space<vmem>> -> memref<500x128xf32, #tpu.memory_space<vmem>>
    tpu.wait_dma2 semaphore(%arg8 : memref<!tpu.dma_semaphore, #tpu.memory_space<semaphore_mem>>) src(%dma_wait3A_1187 : memref<500x128xf32, #tpu.memory_space<vmem>>) dst(%dma_wait3A_1184 : memref<500x128xf32, #tpu.memory_space<hbm>>)
    %dma_wait3A_1188 = arith.constant 6 : i32
    %dma_wait3A_1189 = arith.constant 6 : i32
    %dma_wait3A_1190 = arith.constant 0 : i32
    %dma_wait3A_1191 = tpu.memref_slice %arg5[%dma_wait3A_1189, %dma_wait3A_1190] : memref<506x128xf32, #tpu.memory_space<vmem>> -> memref<500x128xf32, #tpu.memory_space<vmem>>
    %dma_wait3A_1192 = arith.constant 1500 : i32
    %dma_wait3A_1193 = arith.constant 0 : i32
    %dma_wait3A_1194 = tpu.memref_slice %arg3[%add3A, %dma_wait3A_1188, %dma_wait3A_1192, %dma_wait3A_1193] : memref<32x7x2000x128xf32, #tpu.memory_space<hbm>> -> memref<1x1x500x128xf32, #tpu.memory_space<hbm>>
    %dma_wait3A_1195 = tpu.memref_squeeze %dma_wait3A_1194 : memref<1x1x500x128xf32, #tpu.memory_space<hbm>> -> memref<500x128xf32, #tpu.memory_space<hbm>>
    %dma_wait3A_1196 = arith.constant 1500 : i32
    %dma_wait3A_1197 = arith.constant 0 : i32
    %dma_wait3A_1198 = tpu.memref_slice %arg3[%add3A, %dma_wait3A_1188, %dma_wait3A_1196, %dma_wait3A_1197] : memref<32x7x2000x128xf32, #tpu.memory_space<hbm>> -> memref<1x1x500x128xf32, #tpu.memory_space<hbm>>
    %dma_wait3A_1199 = tpu.memref_squeeze %dma_wait3A_1198 : memref<1x1x500x128xf32, #tpu.memory_space<hbm>> -> memref<500x128xf32, #tpu.memory_space<hbm>>
    %dma_wait3A_1200 = arith.constant 6 : i32
    %dma_wait3A_1201 = arith.constant 0 : i32
    %dma_wait3A_1202 = tpu.memref_slice %arg5[%dma_wait3A_1200, %dma_wait3A_1201] : memref<506x128xf32, #tpu.memory_space<vmem>> -> memref<500x128xf32, #tpu.memory_space<vmem>>
    tpu.wait_dma2 semaphore(%arg8 : memref<!tpu.dma_semaphore, #tpu.memory_space<semaphore_mem>>) src(%dma_wait3A_1202 : memref<500x128xf32, #tpu.memory_space<vmem>>) dst(%dma_wait3A_1199 : memref<500x128xf32, #tpu.memory_space<hbm>>)
    return
  }
}

</mosaic_0001>

<sc_bundles>
// kernel: kernel.3.cloned.1.call-start
scs
__scs_entry_jumppad:
0x0: {  	(pc) =	sbr.rel $0x88, $3  }
0x1: {  	(tag) =	ssettag $0x0;
	lr =	simm.s32 $0x1  }
0x2: {  	[smem:$0x3FA0] =	sst lr;
	_ =	strace $0xD0000000  }
0x3: {  	_ = 	snop  }
0x4: {  	_ = 	snop  }
0x5: {  	_ = 	snop  }
0x6: {  	_ = 	snop  }
0x7: {  	_ = 	snop  }
__scs_overlays_trampoline_lowered:
0x8: {  	[smem:$0x3FAF] =	sst s0  }
0x9: {  	[smem:$0x3FB0] =	sst s1  }
0xa: {  	[smem:$0x3FB1] =	sst s2  }
0xb: {  	[smem:$0x3FB2] =	sst s3  }
0xc: {  	[smem:$0x3FB3] =	sst s4  }
0xd: {  	[smem:$0x3FB4] =	sst s5  }
0xe: {  	[smem:$0x3FB5] =	sst s6  }
0xf: {  	[smem:$0x3FB6] =	sst s7  }
0x10: {  	[smem:$0x3FB7] =	sst s8  }
0x11: {  	[smem:$0x3FB8] =	sst s9;
	s0 =	simm.s32 @!p0 $0x0  }
0x12: {  	s1 =	sld [smem:$0x3F9E];
	s0 =	simm.s32 @p0 $0x1  }
0x13: {  	[smem:$0x3FB9] =	sst s0;
	s0 =	simm.s32 @!p1 $0x0  }
0x14: {  	s2 =	sld [smem:$0x3F9D];
	s0 =	simm.s32 @p1 $0x1  }
0x15: {  	[smem:$0x3FBA] =	sst s0;
	s0 =	simm.s32 @!p2 $0x0  }
0x16: {  	s3 =	sld [smem:$0x3FDB];
	s0 =	simm.s32 @p2 $0x1  }
0x17: {  	s4 =	simm.s32 $0x1BF5;
	[smem:$0x3FBC] =	sst s0  }
0x18: {  	s0 =	sld [smem:$0x3F9F];
	_ =	swait.ge [sflag:s4], $0x0  }
0x19: {  	s7 =	sld [smem:$0x3FA0]  }
0x1a: {  	s8 =	sadd.s32 $0xFFFFE003, lr  }
0x1b: {  	s9 =	sadd.s32 $0xFFFFFEF7, lr;
	s5 =	simm.s32 $0xFFFFFFFF;
	p2 =	slt.u32 s8, $0xFFFFF086  }
0x1c: {  	p1 =	slt.u32 s9, $0xF7A;
	s5 =	simm.s32 @!p2 $0x0  }
0x1d: {  	s5 =	simm.s32 @p1 $0x1;
	p0 =	seq.s32 s7, s2  }
0x1e: {  	s7 =	smul.u32 @!p0 $0xF7A, s2;
	p2 =	seq.s32 @!p0 s5, $0x0  }
0x1f: {  	s9 =	smul.u32 $0xF7A, s1;
	s8 =	simm.s32 @!p0 $0x1BF5;
	p2 =	por !p2, p0  }
0x20: {  	[sflag:s8] =	ssyncset.s32 @!p0 $0xFFFFF086;
	s6 =	sadd.s32 @!p0 s3, s7;
	s7 =	simm.s32 @!p0 $0x108  }
0x21: {  	s3 =	sadd.s32 s3, s9;
	s6 =	sadd.s32 @!p0 $0x88, s6;
	s7 =	simm.s32 @p2 $0x1082  }
0x22: {  	[simem:s7], [sflag:s8] =	dma.local @!p0 [hbm:s6], $0xF7A  }
0x23: {  	s9 =	sor.u32 $0xD0000000, s2;
	s6 =	simm.s32 $0x108;
	_ =	swait.ge @!p0 [sflag:s8], $0x0  }
0x24: {  	s3 =	sadd.s32 $0x88, s3;
	s6 =	simm.s32 @!p1 $0x1082;
	[sflag:s4] =	ssyncset.s32 $0xFFFFF086  }
0x25: {  	[simem:s6], [sflag:s4] =	dma.local [hbm:s3], $0xF7A  }
0x26: {  	[smem:$0x3FA0] =	sst s1;
	(tag) =	ssettag s2;
	_ =	strace s9  }
0x27: {  	s1 =	sld [smem:$0x3FB0]  }
0x28: {  	s2 =	sld [smem:$0x3FB1]  }
0x29: {  	s4 =	sld [smem:$0x3FB3]  }
0x2a: {  	p0 =	seq.s32 s5, $0x0;
	s5 =	sld [smem:$0x3FB4]  }
0x2b: {  	s6 =	sld [smem:$0x3FB5]  }
0x2c: {  	s7 =	sld [smem:$0x3FB6]  }
0x2d: {  	s3 =	simm.s32 $0x108;
	s8 =	sld [smem:$0x3FB7]  }
0x2e: {  	s3 =	simm.s32 @!p0 $0x1082;
	s9 =	sld [smem:$0x3FB8]  }
0x2f: {  	lr =	sadd.s32 s0, s3;
	s0 =	sld [smem:$0x3FAF]  }
0x30: {  	s3 =	sld [smem:$0x3FB2]  }
0x31: {  	[smem:$0x3FBB] =	sst s10  }
0x32: {  	s10 =	sld [smem:$0x3FB9];
	_ =	sdelay $0x3  }
0x33: {  	p0 =	seq.s32 s10, $0x1;
	s10 =	sld [smem:$0x3FBB];
	_ =	sdelay $0x3  }
0x34: {  	[smem:$0x3FBB] =	sst s10  }
0x35: {  	s10 =	sld [smem:$0x3FBA];
	_ =	sdelay $0x3  }
0x36: {  	p1 =	seq.s32 s10, $0x1;
	s10 =	sld [smem:$0x3FBB];
	_ =	sdelay $0x3  }
0x37: {  	[smem:$0x3FBB] =	sst s10  }
0x38: {  	s10 =	sld [smem:$0x3FBC]  }
0x39: {  	_ = 	snop;
	(pc) =	sbr.ind lr, $3  }
0x3a: {  	_ = 	snop  }
0x3b: {  	_ = 	snop  }
0x3c: {  	p2 =	seq.s32 s10, $0x1;
	s10 =	sld [smem:$0x3FBB]  }
0x3d: {  	_ =	shalt  }
0x3e: {  	_ =	shalt  }
0x3f: {  	_ =	shalt  }
0x40: {  	_ =	shalt  }
0x41: {  	_ =	shalt  }
0x42: {  	_ =	shalt  }
0x43: {  	_ =	shalt  }
0x44: {  	_ =	shalt  }
0x45: {  	_ =	shalt  }
0x46: {  	_ =	shalt  }
0x47: {  	_ =	shalt  }
0x48: {  	_ =	shalt  }
0x49: {  	_ =	shalt  }
0x4a: {  	_ =	shalt  }
0x4b: {  	_ =	shalt  }
0x4c: {  	_ =	shalt  }
0x4d: {  	_ =	shalt  }
0x4e: {  	_ =	shalt  }
0x4f: {  	_ =	shalt  }
0x50: {  	_ =	shalt  }
0x51: {  	_ =	shalt  }
0x52: {  	_ =	shalt  }
0x53: {  	_ =	shalt  }
0x54: {  	_ =	shalt  }
0x55: {  	_ =	shalt  }
0x56: {  	_ =	shalt  }
0x57: {  	_ =	shalt  }
0x58: {  	_ =	shalt  }
0x59: {  	_ =	shalt  }
0x5a: {  	_ =	shalt  }
0x5b: {  	_ =	shalt  }
0x5c: {  	_ =	shalt  }
0x5d: {  	_ =	shalt  }
0x5e: {  	_ =	shalt  }
0x5f: {  	_ =	shalt  }
0x60: {  	_ =	shalt  }
0x61: {  	_ =	shalt  }
0x62: {  	_ =	shalt  }
0x63: {  	_ =	shalt  }
0x64: {  	_ =	shalt  }
0x65: {  	_ =	shalt  }
0x66: {  	_ =	shalt  }
0x67: {  	_ =	shalt  }
0x68: {  	_ =	shalt  }
0x69: {  	_ =	shalt  }
0x6a: {  	_ =	shalt  }
0x6b: {  	_ =	shalt  }
0x6c: {  	_ =	shalt  }
0x6d: {  	_ =	shalt  }
0x6e: {  	_ =	shalt  }
0x6f: {  	_ =	shalt  }
0x70: {  	_ =	shalt  }
0x71: {  	_ =	shalt  }
0x72: {  	_ =	shalt  }
0x73: {  	_ =	shalt  }
0x74: {  	_ =	shalt  }
0x75: {  	_ =	shalt  }
0x76: {  	_ =	shalt  }
0x77: {  	_ =	shalt  }
0x78: {  	_ =	shalt  }
0x79: {  	_ =	shalt  }
0x7a: {  	_ =	shalt  }
0x7b: {  	_ =	shalt  }
0x7c: {  	_ =	shalt  }
0x7d: {  	_ =	shalt  }
0x7e: {  	_ =	shalt  }
0x7f: {  	_ =	shalt  }
0x80: {  	_ =	shalt  }
0x81: {  	_ =	shalt  }
0x82: {  	_ =	shalt  }
0x83: {  	_ =	shalt  }
0x84: {  	_ =	shalt  }
0x85: {  	_ =	shalt  }
0x86: {  	_ =	shalt  }
0x87: {  	_ =	shalt  }
.Lfunc_end0:
.L_simem_size_0:
called_computation_lowered:
.L_overlay_start_0:
0x88: {  	s2 =	sld [smem:$0x3FD9]  }
0x89: {  	s3 =	sld [smem:$0x3FFE];
	_ =	sdelay $0x1  }
0x8a: {  	s1 =	srdreg.scid  }
0x8b: {  	s0 =	sand.u32 $0x1, s1  }
0x8c: {  	s18 =	sshll.u32 s0, $0xA;
	s2 =	sadd.s32 s3, s2  }
0x8d: {  	s2 =	sadd.s32 s2, s18  }
0x8e: {  	[smem:$0x3FC7] =	sst s2  }
0x8f: {  	_ = 	snop  }
0x90: {  	s2 =	sld [smem:$0x3FC9]  }
0x91: {  	s19 =	sld [smem:$0x3FD0];
	(tm) =	ssettm $0x1  }
0x92: {  	s4 =	sld [smem:$0x3FFB];
	_ =	sdelay $0x3  }
0x93: {  	_ =	strace s4  }
0x94: {  	s4 =	sld [smem:$0x3FFC];
	_ =	sdelay $0x3  }
0x95: {  	_ =	strace s4  }
0x96: {  	s4 =	sld [smem:$0x3FFD];
	_ =	sdelay $0x3  }
0x97: {  	_ =	strace s4  }
0x98: {  	_ =	strace $0x8FFFFFFF  }
0x99: {  	s20 =	sld [smem:$0x3FDB];
	_ =	sdelay $0x1  }
0x9a: {  	s5 =	simm.s32 $_scs_section_size  }
0x9b: {  	s6 =	simm.s32 $_size__tile_overlayer_lowered;
	s7 =	simm.s32 $_tile_overlayer_lowered  }
0x9c: {  	s23 =	simm.s32 $0x1BFF;
	s22 =	sshll.u32 s7, $0x1;
	s4 =	sadd.s32 s5, s20  }
0x9d: {  	s8 =	simm.s32 $0x0;
	s21 =	sshll.u32 s6, $0x1;
	s6 =	sadd.s32 s22, s4  }
0x9e: {  	[timem:s8], [sflag:s23] =	dma.local [hbm:s6], s21  }
0x9f: {  	_ =	swait.ge [sflag:s23], s21  }
0xa0: {  	s5 =	ssub.s32 $0x0, s21;
	[sflag:s23] =	ssyncset.done $0x0  }
0xa1: {  	[sflag:s23] =	ssyncadd.s32 s5;
	_ =	sdelay $0x1  }
0xa2: {  	s24 =	simm.s32 $0x1B8B  }
0xa3: {  	_ =	swait.ge [sflag:s24], $0x1  }
0xa4: {  	[sflag:s24] =	ssyncset.done $0x0  }
0xa5: {  	s25 =	simm.s32 $0x1B8E;
	[sflag:s24] =	ssyncadd.s32 $0xFFFFFFFF  }
0xa6: {  	s26 =	simm.s32 $execute0_lowered;
	[smem:$0x3FD2] =	sst s25  }
0xa7: {  	s5 =	sshll.u32 s26, $0x1;
	_ =	strace $0x80000046;
	[dreg:$0x1] =	wrdreg $0xFFFFFFFF  }
0xa8: {  	s28 =	simm.s32 $_size_execute0_lowered;
	s4 =	sadd.s32 s4, s5;
	[dreg:$0x0] =	wrdreg $0x0  }
0xa9: {  	s5 =	sshll.u32 s28, $0x1;
	[dreg:$0x2] =	wrdreg s4  }
0xaa: {  	[dreg:$0x3] =	wrdreg s5  }
0xab: {  	[dreg:$0x4] =	wrdreg $0xC0  }
0xac: {  	_ =	task [dreg:s8], $0x5FFFF  }
0xad: {  	[dreg:$0x1] =	wrdreg $0xFFFFFFFF  }
0xae: {  	[dreg:$0x0] =	wrdreg $0x60  }
0xaf: {  	[dreg:$0x2] =	wrdreg s2  }
0xb0: {  	[dreg:$0x3] =	wrdreg s19  }
0xb1: {  	[dreg:$0x4] =	wrdreg $0x9  }
0xb2: {  	_ =	task.clear_ibuf [dreg:s8], $0x5FFFF;
	_ =	strace $0x90000046  }
0xb3: {  	s29 =	simm.s32 $0x9;
	_ =	strace $0x80000048  }
0xb4: {  	_ =	swait.ge [sflag:s29], $0x1  }
0xb5: {  	[sflag:s29] =	ssyncadd.s32 $0xFFFFFFFF  }
0xb6: {  	_ =	strace $0x90000048  }
0xb7: {  	_ =	sfence  }
0xb8: {  	s30 =	sld [smem:$0x0];
	_ =	sdelay $0x2  }
0xb9: {  	s31 =	sshll.u32 s1, $0xD;
	s1 =	sshrl.u32 s1, $0x2  }
0xba: {  	s3 =	sand.u32 $0x4000, s31;
	s1 =	sadd.s32 s1, s30  }
0xbb: {  	s0 =	sor.u32 s3, s0;
	s1 =	sshll.u32 s1, $0x11  }
0xbc: {  	s0 =	sor.u32 s1, s0  }
0xbd: {  	s0 =	sadd.s32 $0x8F2B, s0  }
0xbe: {  	[sflag:s0] =	ssyncadd.remote.s32 $0x1  }
0xbf: {  	_ =	sfence.sel $0xFFFF  }
0xc0: {  	[dreg:$0x0] =	wrdreg $0xFFFFFFFF;
	(pc) =	sbr.abs _section_cstart, $3  }
0xc1: {  	[dreg:$0x1] =	wrdreg $0xFFFFFFFF  }
0xc2: {  	_ =	task.clear_ibuf [dreg:s8], $0x2FFFF;
	_ =	strace $0x9FFFFFFF  }
0xc3: {  	(tm) =	ssettm $0x7FFFFFFF  }
tec
execute0_lowered:
.L_overlay_start_1:
0x0: {  	(tag) =	ssettag $0x1  }
0x1: {  	s3 =	rddreg [dreg:$0x0];
	s1 =	simm.s32 $0x0  }
0x2: {  	v0 =	vimm.f32 $0.0e+00;
	[smem:$0x7FF] =	sst s1  }
0x3: {  	s4 =	rddreg [dreg:$0x1];
	_ =	strace $0x80000047;
	[tilespmem:$0x20] =	vst v0  }
0x4: {  	[tilespmem:$0x30] =	vst v0  }
0x5: {  	[tilespmem:$0x40] =	vst v0  }
0x6: {  	[tilespmem:$0x50] =	vst v0  }
0x7: {  	[tilespmem:$0x60] =	vst v0  }
0x8: {  	[tilespmem:$0x70] =	vst v0  }
0x9: {  	[tilespmem:$0x80] =	vst v0  }
0xa: {  	[tilespmem:$0x90] =	vst v0  }
0xb: {  	[tilespmem:$0xA0] =	vst v0  }
0xc: {  	[tilespmem:$0xB0] =	vst v0  }
0xd: {  	[tilespmem:$0xC0] =	vst v0  }
0xe: {  	[tilespmem:$0xD0] =	vst v0  }
0xf: {  	[tilespmem:$0xE0] =	vst v0  }
0x10: {  	[tilespmem:$0xF0] =	vst v0  }
0x11: {  	[tilespmem:$0x100] =	vst v0  }
0x12: {  	[tilespmem:$0x110] =	vst v0  }
0x13: {  	[tilespmem:$0x120] =	vst v0  }
0x14: {  	[tilespmem:$0x130] =	vst v0  }
0x15: {  	[tilespmem:$0x140] =	vst v0  }
0x16: {  	[tilespmem:$0x150] =	vst v0  }
0x17: {  	s0 =	srdreg.scid;
	s2 =	stileid.u32;
	[tilespmem:$0x160] =	vst v0  }
0x18: {  	s0 =	sand.u32 $0x1, s0;
	s5 =	sshll.u32 s2, $0x1;
	[tilespmem:$0x170] =	vst v0  }
0x19: {  	s5 =	sor.u32 s0, s5;
	[tilespmem:$0x0] =	vst v0  }
0x1a: {  	[tilespmem:$0x2F0] =	vst v0;
	s6 =	smul.u32 $0x3E800, s5  }
0x1b: {  	[tilespmem:$0x2E0] =	vst v0;
	s5 =	smul.u32 $0x1B5800, s5  }
0x1c: {  	[tilespmem:$0x2D0] =	vst v0;
	s6 =	sshrl.u32 s6, $0x3  }
0x1d: {  	[tilespmem:$0x2C0] =	vst v0;
	s5 =	sshrl.u32 s5, $0x3;
	s8 =	sadd.s32 s3, s6  }
0x1e: {  	[tilespmem:$0x2B0] =	vst v0;
	s3 =	sadd.s32 s4, s5;
	s6 =	sadd.s32 $0x1EE0, s8;
	[dreg:$0x17] =	wrdreg s8  }
0x1f: {  	[tilespmem:$0x2A0] =	vst v0;
	s5 =	sadd.s32 $0x7D00, s3;
	[dreg:$0x3] =	wrdreg s6  }
0x20: {  	[tilespmem:$0x290] =	vst v0;
	s9 =	sadd.s32 $0xFA00, s3;
	[dreg:$0x4] =	wrdreg s5  }
0x21: {  	[tilespmem:$0x280] =	vst v0;
	s10 =	sadd.s32 $0x17700, s3;
	[dreg:$0x5] =	wrdreg s9  }
0x22: {  	[tilespmem:$0x270] =	vst v0;
	s11 =	sadd.s32 $0x1F400, s3;
	[dreg:$0x6] =	wrdreg s10  }
0x23: {  	[tilespmem:$0x260] =	vst v0;
	s12 =	sadd.s32 $0x27100, s3;
	[dreg:$0x7] =	wrdreg s11  }
0x24: {  	[tilespmem:$0x250] =	vst v0;
	s13 =	sadd.s32 $0x2EE00, s3;
	[dreg:$0x8] =	wrdreg s12  }
0x25: {  	[tilespmem:$0x240] =	vst v0;
	s14 =	sadd.s32 $0x3E20, s8;
	[dreg:$0x9] =	wrdreg s13  }
0x26: {  	[tilespmem:$0x230] =	vst v0;
	s15 =	sadd.s32 $0x1F40, s3;
	[dreg:$0xa] =	wrdreg s14  }
0x27: {  	[tilespmem:$0x220] =	vst v0;
	s16 =	sadd.s32 $0x9C40, s3;
	[dreg:$0xb] =	wrdreg s15  }
0x28: {  	[tilespmem:$0x210] =	vst v0;
	s17 =	sadd.s32 $0x11940, s3;
	[dreg:$0xc] =	wrdreg s16  }
0x29: {  	[tilespmem:$0x200] =	vst v0;
	s18 =	sadd.s32 $0x19640, s3;
	[dreg:$0xd] =	wrdreg s17  }
0x2a: {  	[tilespmem:$0x1F0] =	vst v0;
	s19 =	sadd.s32 $0x21340, s3;
	[dreg:$0xe] =	wrdreg s18  }
0x2b: {  	[tilespmem:$0x1E0] =	vst v0;
	s20 =	sadd.s32 $0x29040, s3;
	[dreg:$0xf] =	wrdreg s19  }
0x2c: {  	[tilespmem:$0x1D0] =	vst v0;
	s21 =	sadd.s32 $0x30D40, s3;
	[dreg:$0x10] =	wrdreg s20  }
0x2d: {  	[tilespmem:$0x1C0] =	vst v0;
	s22 =	sadd.s32 $0x5D60, s8;
	[dreg:$0x11] =	wrdreg s21  }
0x2e: {  	[tilespmem:$0x1B0] =	vst v0;
	s23 =	sadd.s32 $0x3E80, s3;
	[dreg:$0x12] =	wrdreg s22  }
0x2f: {  	[tilespmem:$0x1A0] =	vst v0;
	s24 =	sadd.s32 $0xBB80, s3;
	[dreg:$0x13] =	wrdreg s23  }
0x30: {  	[tilespmem:$0x190] =	vst v0;
	s25 =	sadd.s32 $0x13880, s3;
	[dreg:$0x14] =	wrdreg s24  }
0x31: {  	[tilespmem:$0x180] =	vst v0;
	s26 =	sadd.s32 $0x1B580, s3;
	[dreg:$0x15] =	wrdreg s25  }
0x32: {  	[tilespmem:$0x10] =	vst v0;
	[dreg:$0x16] =	wrdreg s26;
	s5 =	simm.s32 $0x300;
	s6 =	simm.s32 $0x1  }
0x33: {  	[tilespmem:s5], [sflag:$0x1] =	stream.linear.gather [hbm4b:s8+s1], $0xFA00, $0x38;
	[tilespmem:$0x1FA00] =	vst v63  }
0x34: {  	_ =	swait.ge [sflag:s6], $0xFA00  }
0x35: {  	[sflag:s6] =	ssyncset.done $0x0  }
0x36: {  	s7 =	simm.s32 $0xFD00;
	s8 =	rddreg [dreg:$0x3];
	[sflag:s6] =	ssyncadd.s32 $0xFFFF0600  }
0x37: {  	[tilespmem:s7], [sflag:$0x1] =	stream.linear.gather [hbm4b:s8+s1], $0xFD00, $0x38;
	[tilespmem:$0x1FA00] =	vst v63  }
0x38: {  	_ = 	snop  }
0x39: {  	[hbm4b:s3+s1] =	stream.linear.scatter [tilespmem:s1], [sflag:$0x2], $0xFA00, $0x38;
	[tilespmem:$0x1FA00] =	vst v63  }
0x3a: {  	s4 =	simm.s32 $0x80;
	s9 =	rddreg [dreg:$0x4]  }
0x3b: {  	[hbm4b:s9+s1] =	stream.linear.scatter [tilespmem:s4], [sflag:$0x2], $0xFA00, $0x38;
	[tilespmem:$0x1FA00] =	vst v63  }
0x3c: {  	s10 =	rddreg [dreg:$0x5];
	s8 =	simm.s32 $0x100  }
0x3d: {  	[hbm4b:s10+s1] =	stream.linear.scatter [tilespmem:s8], [sflag:$0x2], $0xFA00, $0x38;
	[tilespmem:$0x1FA00] =	vst v63  }
0x3e: {  	s11 =	rddreg [dreg:$0x6];
	s9 =	simm.s32 $0x180  }
0x3f: {  	[hbm4b:s11+s1] =	stream.linear.scatter [tilespmem:s9], [sflag:$0x2], $0xFA00, $0x38;
	[tilespmem:$0x1FA00] =	vst v63  }
0x40: {  	s12 =	rddreg [dreg:$0x7];
	s11 =	simm.s32 $0x200  }
0x41: {  	[hbm4b:s12+s1] =	stream.linear.scatter [tilespmem:s11], [sflag:$0x2], $0xFA00, $0x38;
	[tilespmem:$0x1FA00] =	vst v63  }
0x42: {  	s13 =	rddreg [dreg:$0x8];
	s12 =	simm.s32 $0x280  }
0x43: {  	[hbm4b:s13+s1] =	stream.linear.scatter [tilespmem:s12], [sflag:$0x2], $0xFA00, $0x38;
	[tilespmem:$0x1FA00] =	vst v63  }
0x44: {  	s14 =	rddreg [dreg:$0x9]  }
0x45: {  	[hbm4b:s14+s1] =	stream.linear.scatter [tilespmem:s5], [sflag:$0x2], $0xFA00, $0x38;
	[tilespmem:$0x1FA00] =	vst v63  }
0x46: {  	_ =	swait.ge [sflag:s6], $0xFD00  }
0x47: {  	[sflag:s6] =	ssyncset.done $0x0  }
0x48: {  	s13 =	simm.s32 $0x2;
	[sflag:s6] =	ssyncadd.s32 $0xFFFF0300  }
0x49: {  	_ =	swait.ge [sflag:s13], $0xFA00  }
0x4a: {  	[sflag:s13] =	ssyncset.done $0x0  }
0x4b: {  	[sflag:s13] =	ssyncadd.s32 $0xFFFF0600  }
0x4c: {  	_ =	swait.ge [sflag:s13], $0xFA00  }
0x4d: {  	[sflag:s13] =	ssyncset.done $0x0  }
0x4e: {  	[sflag:s13] =	ssyncadd.s32 $0xFFFF0600  }
0x4f: {  	_ =	swait.ge [sflag:s13], $0xFA00  }
0x50: {  	[sflag:s13] =	ssyncset.done $0x0  }
0x51: {  	[sflag:s13] =	ssyncadd.s32 $0xFFFF0600  }
0x52: {  	_ =	swait.ge [sflag:s13], $0xFA00  }
0x53: {  	[sflag:s13] =	ssyncset.done $0x0  }
0x54: {  	[sflag:s13] =	ssyncadd.s32 $0xFFFF0600  }
0x55: {  	_ =	swait.ge [sflag:s13], $0xFA00  }
0x56: {  	[sflag:s13] =	ssyncset.done $0x0  }
0x57: {  	[sflag:s13] =	ssyncadd.s32 $0xFFFF0600  }
0x58: {  	_ =	swait.ge [sflag:s13], $0xFA00  }
0x59: {  	[sflag:s13] =	ssyncset.done $0x0  }
0x5a: {  	[sflag:s13] =	ssyncadd.s32 $0xFFFF0600  }
0x5b: {  	_ =	swait.ge [sflag:s13], $0xFA00  }
0x5c: {  	[sflag:s13] =	ssyncset.done $0x0  }
0x5d: {  	s23 =	rddreg [dreg:$0xa];
	[sflag:s13] =	ssyncadd.s32 $0xFFFF0600  }
0x5e: {  	[tilespmem:s1], [sflag:$0x1] =	stream.linear.gather [hbm4b:s23+s1], $0xFD00, $0x38;
	[tilespmem:$0x1FA00] =	vst v63  }
0x5f: {  	s15 =	rddreg [dreg:$0xb]  }
0x60: {  	[hbm4b:s15+s1] =	stream.linear.scatter [tilespmem:s7], [sflag:$0x3], $0xFA00, $0x38;
	[tilespmem:$0x1FA00] =	vst v63  }
0x61: {  	s14 =	simm.s32 $0xFD80;
	s16 =	rddreg [dreg:$0xc]  }
0x62: {  	[hbm4b:s16+s1] =	stream.linear.scatter [tilespmem:s14], [sflag:$0x3], $0xFA00, $0x38;
	[tilespmem:$0x1FA00] =	vst v63  }
0x63: {  	s17 =	rddreg [dreg:$0xd];
	s15 =	simm.s32 $0xFE00  }
0x64: {  	[hbm4b:s17+s1] =	stream.linear.scatter [tilespmem:s15], [sflag:$0x3], $0xFA00, $0x38;
	[tilespmem:$0x1FA00] =	vst v63  }
0x65: {  	s18 =	rddreg [dreg:$0xe];
	s16 =	simm.s32 $0xFE80  }
0x66: {  	[hbm4b:s18+s1] =	stream.linear.scatter [tilespmem:s16], [sflag:$0x3], $0xFA00, $0x38;
	[tilespmem:$0x1FA00] =	vst v63  }
0x67: {  	s19 =	rddreg [dreg:$0xf];
	s17 =	simm.s32 $0xFF00  }
0x68: {  	[hbm4b:s19+s1] =	stream.linear.scatter [tilespmem:s17], [sflag:$0x3], $0xFA00, $0x38;
	[tilespmem:$0x1FA00] =	vst v63  }
0x69: {  	s20 =	rddreg [dreg:$0x10];
	s18 =	simm.s32 $0xFF80  }
0x6a: {  	[hbm4b:s20+s1] =	stream.linear.scatter [tilespmem:s18], [sflag:$0x3], $0xFA00, $0x38;
	[tilespmem:$0x1FA00] =	vst v63  }
0x6b: {  	s21 =	rddreg [dreg:$0x11];
	s19 =	simm.s32 $0x10000  }
0x6c: {  	[hbm4b:s21+s1] =	stream.linear.scatter [tilespmem:s19], [sflag:$0x3], $0xFA00, $0x38;
	[tilespmem:$0x1FA00] =	vst v63  }
0x6d: {  	_ =	swait.ge [sflag:s6], $0xFD00  }
0x6e: {  	[sflag:s6] =	ssyncset.done $0x0  }
0x6f: {  	s20 =	simm.s32 $0x3;
	[sflag:s6] =	ssyncadd.s32 $0xFFFF0300  }
0x70: {  	_ =	swait.ge [sflag:s20], $0xFA00  }
0x71: {  	[sflag:s20] =	ssyncset.done $0x0  }
0x72: {  	[sflag:s20] =	ssyncadd.s32 $0xFFFF0600  }
0x73: {  	_ =	swait.ge [sflag:s20], $0xFA00  }
0x74: {  	[sflag:s20] =	ssyncset.done $0x0  }
0x75: {  	[sflag:s20] =	ssyncadd.s32 $0xFFFF0600  }
0x76: {  	_ =	swait.ge [sflag:s20], $0xFA00  }
0x77: {  	[sflag:s20] =	ssyncset.done $0x0  }
0x78: {  	[sflag:s20] =	ssyncadd.s32 $0xFFFF0600  }
0x79: {  	_ =	swait.ge [sflag:s20], $0xFA00  }
0x7a: {  	[sflag:s20] =	ssyncset.done $0x0  }
0x7b: {  	[sflag:s20] =	ssyncadd.s32 $0xFFFF0600  }
0x7c: {  	_ =	swait.ge [sflag:s20], $0xFA00  }
0x7d: {  	[sflag:s20] =	ssyncset.done $0x0  }
0x7e: {  	[sflag:s20] =	ssyncadd.s32 $0xFFFF0600  }
0x7f: {  	_ =	swait.ge [sflag:s20], $0xFA00  }
0x80: {  	[sflag:s20] =	ssyncset.done $0x0  }
0x81: {  	[sflag:s20] =	ssyncadd.s32 $0xFFFF0600  }
0x82: {  	_ =	swait.ge [sflag:s20], $0xFA00  }
0x83: {  	[sflag:s20] =	ssyncset.done $0x0  }
0x84: {  	s24 =	rddreg [dreg:$0x12];
	[sflag:s20] =	ssyncadd.s32 $0xFFFF0600  }
0x85: {  	[tilespmem:s7], [sflag:$0x1] =	stream.linear.gather [hbm4b:s24+s1], $0xFD00, $0x38;
	[tilespmem:$0x1FA00] =	vst v63  }
0x86: {  	s22 =	rddreg [dreg:$0x13]  }
0x87: {  	[hbm4b:s22+s1] =	stream.linear.scatter [tilespmem:s1], [sflag:$0x2], $0xFA00, $0x38;
	[tilespmem:$0x1FA00] =	vst v63  }
0x88: {  	s25 =	rddreg [dreg:$0x14]  }
0x89: {  	[hbm4b:s25+s1] =	stream.linear.scatter [tilespmem:s4], [sflag:$0x2], $0xFA00, $0x38;
	[tilespmem:$0x1FA00] =	vst v63  }
0x8a: {  	s26 =	rddreg [dreg:$0x15]  }
0x8b: {  	[hbm4b:s26+s1] =	stream.linear.scatter [tilespmem:s8], [sflag:$0x2], $0xFA00, $0x38;
	[tilespmem:$0x1FA00] =	vst v63  }
0x8c: {  	s10 =	rddreg [dreg:$0x16]  }
0x8d: {  	[hbm4b:s10+s1] =	stream.linear.scatter [tilespmem:s9], [sflag:$0x2], $0xFA00, $0x38;
	[tilespmem:$0x1FA00] =	vst v63  }
0x8e: {  	s21 =	sadd.s32 $0x23280, s3  }
0x8f: {  	[hbm4b:s21+s1] =	stream.linear.scatter [tilespmem:s11], [sflag:$0x2], $0xFA00, $0x38;
	[tilespmem:$0x1FA00] =	vst v63  }
0x90: {  	s22 =	sadd.s32 $0x2AF80, s3  }
0x91: {  	[hbm4b:s22+s1] =	stream.linear.scatter [tilespmem:s12], [sflag:$0x2], $0xFA00, $0x38;
	[tilespmem:$0x1FA00] =	vst v63  }
0x92: {  	s23 =	sadd.s32 $0x32C80, s3  }
0x93: {  	[hbm4b:s23+s1] =	stream.linear.scatter [tilespmem:s5], [sflag:$0x2], $0xFA00, $0x38;
	[tilespmem:$0x1FA00] =	vst v63  }
0x94: {  	_ =	swait.ge [sflag:s6], $0xFD00  }
0x95: {  	[sflag:s6] =	ssyncset.done $0x0  }
0x96: {  	s24 =	sadd.s32 $0x5DC0, s3;
	[sflag:s6] =	ssyncadd.s32 $0xFFFF0300  }
0x97: {  	[hbm4b:s24+s1] =	stream.linear.scatter [tilespmem:s7], [sflag:$0x3], $0xFA00, $0x38;
	[tilespmem:$0x1FA00] =	vst v63  }
0x98: {  	s25 =	sadd.s32 $0xDAC0, s3  }
0x99: {  	[hbm4b:s25+s1] =	stream.linear.scatter [tilespmem:s14], [sflag:$0x3], $0xFA00, $0x38;
	[tilespmem:$0x1FA00] =	vst v63  }
0x9a: {  	s26 =	sadd.s32 $0x157C0, s3  }
0x9b: {  	[hbm4b:s26+s1] =	stream.linear.scatter [tilespmem:s15], [sflag:$0x3], $0xFA00, $0x38;
	[tilespmem:$0x1FA00] =	vst v63  }
0x9c: {  	s28 =	sadd.s32 $0x1D4C0, s3  }
0x9d: {  	[hbm4b:s28+s1] =	stream.linear.scatter [tilespmem:s16], [sflag:$0x3], $0xFA00, $0x38;
	[tilespmem:$0x1FA00] =	vst v63  }
0x9e: {  	s29 =	sadd.s32 $0x251C0, s3  }
0x9f: {  	[hbm4b:s29+s1] =	stream.linear.scatter [tilespmem:s17], [sflag:$0x3], $0xFA00, $0x38;
	[tilespmem:$0x1FA00] =	vst v63  }
0xa0: {  	s30 =	sadd.s32 $0x2CEC0, s3  }
0xa1: {  	[hbm4b:s30+s1] =	stream.linear.scatter [tilespmem:s18], [sflag:$0x3], $0xFA00, $0x38;
	[tilespmem:$0x1FA00] =	vst v63  }
0xa2: {  	s31 =	sadd.s32 $0x34BC0, s3  }
0xa3: {  	[hbm4b:s31+s1] =	stream.linear.scatter [tilespmem:s19], [sflag:$0x3], $0xFA00, $0x38;
	[tilespmem:$0x1FA00] =	vst v63  }
0xa4: {  	_ =	swait.ge [sflag:s13], $0xFA00  }
0xa5: {  	[sflag:s13] =	ssyncset.done $0x0  }
0xa6: {  	[sflag:s13] =	ssyncadd.s32 $0xFFFF0600  }
0xa7: {  	_ =	swait.ge [sflag:s13], $0xFA00  }
0xa8: {  	[sflag:s13] =	ssyncset.done $0x0  }
0xa9: {  	[sflag:s13] =	ssyncadd.s32 $0xFFFF0600  }
0xaa: {  	_ =	swait.ge [sflag:s13], $0xFA00  }
0xab: {  	[sflag:s13] =	ssyncset.done $0x0  }
0xac: {  	[sflag:s13] =	ssyncadd.s32 $0xFFFF0600  }
0xad: {  	_ =	swait.ge [sflag:s13], $0xFA00  }
0xae: {  	[sflag:s13] =	ssyncset.done $0x0  }
0xaf: {  	[sflag:s13] =	ssyncadd.s32 $0xFFFF0600  }
0xb0: {  	_ =	swait.ge [sflag:s13], $0xFA00  }
0xb1: {  	[sflag:s13] =	ssyncset.done $0x0  }
0xb2: {  	[sflag:s13] =	ssyncadd.s32 $0xFFFF0600  }
0xb3: {  	_ =	swait.ge [sflag:s13], $0xFA00  }
0xb4: {  	[sflag:s13] =	ssyncset.done $0x0  }
0xb5: {  	[sflag:s13] =	ssyncadd.s32 $0xFFFF0600  }
0xb6: {  	_ =	swait.ge [sflag:s13], $0xFA00  }
0xb7: {  	[sflag:s13] =	ssyncset.done $0x0  }
0xb8: {  	[sflag:s13] =	ssyncadd.s32 $0xFFFF0600  }
0xb9: {  	_ =	swait.ge [sflag:s20], $0xFA00  }
0xba: {  	[sflag:s20] =	ssyncset.done $0x0  }
0xbb: {  	[sflag:s20] =	ssyncadd.s32 $0xFFFF0600  }
0xbc: {  	_ =	swait.ge [sflag:s20], $0xFA00  }
0xbd: {  	[sflag:s20] =	ssyncset.done $0x0  }
0xbe: {  	[sflag:s20] =	ssyncadd.s32 $0xFFFF0600  }
0xbf: {  	_ =	swait.ge [sflag:s20], $0xFA00  }
0xc0: {  	[sflag:s20] =	ssyncset.done $0x0  }
0xc1: {  	[sflag:s20] =	ssyncadd.s32 $0xFFFF0600  }
0xc2: {  	_ =	swait.ge [sflag:s20], $0xFA00  }
0xc3: {  	s0 =	ssub.s32 $0x2, s0;
	[sflag:s20] =	ssyncset.done $0x0  }
0xc4: {  	s11 =	sshrl.u32 s0, $0x1;
	[sflag:s20] =	ssyncadd.s32 $0xFFFF0600  }
0xc5: {  	s0 =	ssub.s32 s0, s11;
	_ =	swait.ge [sflag:s20], $0xFA00  }
0xc6: {  	s0 =	smax.u32 s0, $0x1;
	[sflag:s20] =	ssyncset.done $0x0  }
0xc7: {  	p0 =	sne.s32 s0, $0x1;
	[sflag:s20] =	ssyncadd.s32 $0xFFFF0600  }
.Ltmp0:
0xc8: {  	_ =	swait.ge [sflag:s20], $0xFA00;
	(pc) =	sbr.rel @!p0 .LBB2_3-.Ltmp0, $4  }
0xc9: {  	[sflag:s20] =	ssyncset.done $0x0  }
0xca: {  	[sflag:s20] =	ssyncadd.s32 $0xFFFF0600  }
0xcb: {  	_ =	swait.ge [sflag:s20], $0xFA00  }
0xcc: {  	s0 =	sadd.s32 $0xFFFFFFFF, s0;
	[sflag:s20] =	ssyncset.done $0x0  }
0xcd: {  	s9 =	smov.u32 s3;
	s10 =	simm.s32 $0x80;
	s11 =	simm.s32 $0x100  }
.LBB2_2:
0xce: {  	[sflag:s20] =	ssyncadd.s32 $0xFFFF0600  }
0xcf: {  	[tilespmem:$0x20] =	vst v0  }
0xd0: {  	[tilespmem:$0x30] =	vst v0  }
0xd1: {  	[tilespmem:$0x40] =	vst v0  }
0xd2: {  	[tilespmem:$0x50] =	vst v0  }
0xd3: {  	[tilespmem:$0x60] =	vst v0  }
0xd4: {  	[tilespmem:$0x70] =	vst v0  }
0xd5: {  	[tilespmem:$0x80] =	vst v0  }
0xd6: {  	[tilespmem:$0x90] =	vst v0  }
0xd7: {  	[tilespmem:$0xA0] =	vst v0  }
0xd8: {  	[tilespmem:$0xB0] =	vst v0  }
0xd9: {  	[tilespmem:$0xC0] =	vst v0  }
0xda: {  	[tilespmem:$0xD0] =	vst v0  }
0xdb: {  	[tilespmem:$0xE0] =	vst v0  }
0xdc: {  	[tilespmem:$0xF0] =	vst v0  }
0xdd: {  	[tilespmem:$0x100] =	vst v0  }
0xde: {  	[tilespmem:$0x110] =	vst v0  }
0xdf: {  	[tilespmem:$0x120] =	vst v0  }
0xe0: {  	[tilespmem:$0x130] =	vst v0  }
0xe1: {  	[tilespmem:$0x140] =	vst v0  }
0xe2: {  	[tilespmem:$0x150] =	vst v0  }
0xe3: {  	[tilespmem:$0x160] =	vst v0  }
0xe4: {  	[tilespmem:$0x170] =	vst v0  }
0xe5: {  	[tilespmem:$0x0] =	vst v0  }
0xe6: {  	[tilespmem:$0x2F0] =	vst v0  }
0xe7: {  	[tilespmem:$0x2E0] =	vst v0  }
0xe8: {  	[tilespmem:$0x2D0] =	vst v0  }
0xe9: {  	[tilespmem:$0x2C0] =	vst v0  }
0xea: {  	[tilespmem:$0x2B0] =	vst v0  }
0xeb: {  	[tilespmem:$0x2A0] =	vst v0  }
0xec: {  	[tilespmem:$0x290] =	vst v0  }
0xed: {  	[tilespmem:$0x280] =	vst v0  }
0xee: {  	[tilespmem:$0x270] =	vst v0  }
0xef: {  	[tilespmem:$0x260] =	vst v0  }
0xf0: {  	[tilespmem:$0x250] =	vst v0  }
0xf1: {  	[tilespmem:$0x240] =	vst v0  }
0xf2: {  	[tilespmem:$0x230] =	vst v0  }
0xf3: {  	[tilespmem:$0x220] =	vst v0  }
0xf4: {  	[tilespmem:$0x210] =	vst v0  }
0xf5: {  	[tilespmem:$0x200] =	vst v0  }
0xf6: {  	[tilespmem:$0x1F0] =	vst v0  }
0xf7: {  	[tilespmem:$0x1E0] =	vst v0  }
0xf8: {  	[tilespmem:$0x1D0] =	vst v0  }
0xf9: {  	[tilespmem:$0x1C0] =	vst v0  }
0xfa: {  	[tilespmem:$0x1B0] =	vst v0  }
0xfb: {  	[tilespmem:$0x1A0] =	vst v0  }
0xfc: {  	[tilespmem:$0x190] =	vst v0  }
0xfd: {  	[tilespmem:$0x180] =	vst v0  }
0xfe: {  	s2 =	rddreg [dreg:$0x17];
	[tilespmem:$0x10] =	vst v0  }
0xff: {  	[tilespmem:s5], [sflag:$0x1] =	stream.linear.gather [hbm4b:s2+s1], $0xFA00, $0x38;
	[tilespmem:$0x1FA00] =	vst v63  }
0x100: {  	_ =	swait.ge [sflag:s6], $0xFA00  }
0x101: {  	[sflag:s6] =	ssyncset.done $0x0  }
0x102: {  	s8 =	rddreg [dreg:$0x3];
	[sflag:s6] =	ssyncadd.s32 $0xFFFF0600  }
0x103: {  	[tilespmem:s7], [sflag:$0x1] =	stream.linear.gather [hbm4b:s8+s1], $0xFD00, $0x38;
	[tilespmem:$0x1FA00] =	vst v63  }
0x104: {  	_ = 	snop  }
0x105: {  	[hbm4b:s9+s1] =	stream.linear.scatter [tilespmem:s1], [sflag:$0x2], $0xFA00, $0x38;
	[tilespmem:$0x1FA00] =	vst v63  }
0x106: {  	s3 =	rddreg [dreg:$0x4]  }
0x107: {  	[hbm4b:s3+s1] =	stream.linear.scatter [tilespmem:s10], [sflag:$0x2], $0xFA00, $0x38;
	[tilespmem:$0x1FA00] =	vst v63  }
0x108: {  	s8 =	rddreg [dreg:$0x5]  }
0x109: {  	[hbm4b:s8+s1] =	stream.linear.scatter [tilespmem:s11], [sflag:$0x2], $0xFA00, $0x38;
	[tilespmem:$0x1FA00] =	vst v63  }
0x10a: {  	s4 =	rddreg [dreg:$0x6];
	s8 =	simm.s32 $0x180  }
0x10b: {  	[hbm4b:s4+s1] =	stream.linear.scatter [tilespmem:s8], [sflag:$0x2], $0xFA00, $0x38;
	[tilespmem:$0x1FA00] =	vst v63  }
0x10c: {  	s3 =	rddreg [dreg:$0x7];
	s4 =	simm.s32 $0x200  }
0x10d: {  	[hbm4b:s3+s1] =	stream.linear.scatter [tilespmem:s4], [sflag:$0x2], $0xFA00, $0x38;
	[tilespmem:$0x1FA00] =	vst v63  }
0x10e: {  	s2 =	rddreg [dreg:$0x8]  }
0x10f: {  	[hbm4b:s2+s1] =	stream.linear.scatter [tilespmem:s12], [sflag:$0x2], $0xFA00, $0x38;
	[tilespmem:$0x1FA00] =	vst v63  }
0x110: {  	s3 =	rddreg [dreg:$0x9]  }
0x111: {  	[hbm4b:s3+s1] =	stream.linear.scatter [tilespmem:s5], [sflag:$0x2], $0xFA00, $0x38;
	[tilespmem:$0x1FA00] =	vst v63  }
0x112: {  	_ =	swait.ge [sflag:s6], $0xFD00  }
0x113: {  	[sflag:s6] =	ssyncset.done $0x0  }
0x114: {  	[sflag:s6] =	ssyncadd.s32 $0xFFFF0300  }
0x115: {  	_ =	swait.ge [sflag:s13], $0xFA00  }
0x116: {  	[sflag:s13] =	ssyncset.done $0x0  }
0x117: {  	[sflag:s13] =	ssyncadd.s32 $0xFFFF0600  }
0x118: {  	_ =	swait.ge [sflag:s13], $0xFA00  }
0x119: {  	[sflag:s13] =	ssyncset.done $0x0  }
0x11a: {  	[sflag:s13] =	ssyncadd.s32 $0xFFFF0600  }
0x11b: {  	_ =	swait.ge [sflag:s13], $0xFA00  }
0x11c: {  	[sflag:s13] =	ssyncset.done $0x0  }
0x11d: {  	[sflag:s13] =	ssyncadd.s32 $0xFFFF0600  }
0x11e: {  	_ =	swait.ge [sflag:s13], $0xFA00  }
0x11f: {  	[sflag:s13] =	ssyncset.done $0x0  }
0x120: {  	[sflag:s13] =	ssyncadd.s32 $0xFFFF0600  }
0x121: {  	_ =	swait.ge [sflag:s13], $0xFA00  }
0x122: {  	[sflag:s13] =	ssyncset.done $0x0  }
0x123: {  	[sflag:s13] =	ssyncadd.s32 $0xFFFF0600  }
0x124: {  	_ =	swait.ge [sflag:s13], $0xFA00  }
0x125: {  	[sflag:s13] =	ssyncset.done $0x0  }
0x126: {  	[sflag:s13] =	ssyncadd.s32 $0xFFFF0600  }
0x127: {  	_ =	swait.ge [sflag:s13], $0xFA00  }
0x128: {  	[sflag:s13] =	ssyncset.done $0x0  }
0x129: {  	s2 =	rddreg [dreg:$0xa];
	[sflag:s13] =	ssyncadd.s32 $0xFFFF0600  }
0x12a: {  	[tilespmem:s1], [sflag:$0x1] =	stream.linear.gather [hbm4b:s2+s1], $0xFD00, $0x38;
	[tilespmem:$0x1FA00] =	vst v63  }
0x12b: {  	s3 =	rddreg [dreg:$0xb]  }
0x12c: {  	[hbm4b:s3+s1] =	stream.linear.scatter [tilespmem:s7], [sflag:$0x3], $0xFA00, $0x38;
	[tilespmem:$0x1FA00] =	vst v63  }
0x12d: {  	s2 =	rddreg [dreg:$0xc]  }
0x12e: {  	[hbm4b:s2+s1] =	stream.linear.scatter [tilespmem:s14], [sflag:$0x3], $0xFA00, $0x38;
	[tilespmem:$0x1FA00] =	vst v63  }
0x12f: {  	s3 =	rddreg [dreg:$0xd]  }
0x130: {  	[hbm4b:s3+s1] =	stream.linear.scatter [tilespmem:s15], [sflag:$0x3], $0xFA00, $0x38;
	[tilespmem:$0x1FA00] =	vst v63  }
0x131: {  	s2 =	rddreg [dreg:$0xe]  }
0x132: {  	[hbm4b:s2+s1] =	stream.linear.scatter [tilespmem:s16], [sflag:$0x3], $0xFA00, $0x38;
	[tilespmem:$0x1FA00] =	vst v63  }
0x133: {  	s3 =	rddreg [dreg:$0xf]  }
0x134: {  	[hbm4b:s3+s1] =	stream.linear.scatter [tilespmem:s17], [sflag:$0x3], $0xFA00, $0x38;
	[tilespmem:$0x1FA00] =	vst v63  }
0x135: {  	s2 =	rddreg [dreg:$0x10]  }
0x136: {  	[hbm4b:s2+s1] =	stream.linear.scatter [tilespmem:s18], [sflag:$0x3], $0xFA00, $0x38;
	[tilespmem:$0x1FA00] =	vst v63  }
0x137: {  	s3 =	rddreg [dreg:$0x11]  }
0x138: {  	[hbm4b:s3+s1] =	stream.linear.scatter [tilespmem:s19], [sflag:$0x3], $0xFA00, $0x38;
	[tilespmem:$0x1FA00] =	vst v63  }
0x139: {  	_ =	swait.ge [sflag:s6], $0xFD00  }
0x13a: {  	[sflag:s6] =	ssyncset.done $0x0  }
0x13b: {  	[sflag:s6] =	ssyncadd.s32 $0xFFFF0300  }
0x13c: {  	_ =	swait.ge [sflag:s20], $0xFA00  }
0x13d: {  	[sflag:s20] =	ssyncset.done $0x0  }
0x13e: {  	[sflag:s20] =	ssyncadd.s32 $0xFFFF0600  }
0x13f: {  	_ =	swait.ge [sflag:s20], $0xFA00  }
0x140: {  	[sflag:s20] =	ssyncset.done $0x0  }
0x141: {  	[sflag:s20] =	ssyncadd.s32 $0xFFFF0600  }
0x142: {  	_ =	swait.ge [sflag:s20], $0xFA00  }
0x143: {  	[sflag:s20] =	ssyncset.done $0x0  }
0x144: {  	[sflag:s20] =	ssyncadd.s32 $0xFFFF0600  }
0x145: {  	_ =	swait.ge [sflag:s20], $0xFA00  }
0x146: {  	[sflag:s20] =	ssyncset.done $0x0  }
0x147: {  	[sflag:s20] =	ssyncadd.s32 $0xFFFF0600  }
0x148: {  	_ =	swait.ge [sflag:s20], $0xFA00  }
0x149: {  	[sflag:s20] =	ssyncset.done $0x0  }
0x14a: {  	[sflag:s20] =	ssyncadd.s32 $0xFFFF0600  }
0x14b: {  	_ =	swait.ge [sflag:s20], $0xFA00  }
0x14c: {  	[sflag:s20] =	ssyncset.done $0x0  }
0x14d: {  	[sflag:s20] =	ssyncadd.s32 $0xFFFF0600  }
0x14e: {  	_ =	swait.ge [sflag:s20], $0xFA00  }
0x14f: {  	[sflag:s20] =	ssyncset.done $0x0  }
0x150: {  	s2 =	rddreg [dreg:$0x12];
	[sflag:s20] =	ssyncadd.s32 $0xFFFF0600  }
0x151: {  	[tilespmem:s7], [sflag:$0x1] =	stream.linear.gather [hbm4b:s2+s1], $0xFD00, $0x38;
	[tilespmem:$0x1FA00] =	vst v63  }
0x152: {  	s3 =	rddreg [dreg:$0x13]  }
0x153: {  	[hbm4b:s3+s1] =	stream.linear.scatter [tilespmem:s1], [sflag:$0x2], $0xFA00, $0x38;
	[tilespmem:$0x1FA00] =	vst v63  }
0x154: {  	s2 =	rddreg [dreg:$0x14]  }
0x155: {  	[hbm4b:s2+s1] =	stream.linear.scatter [tilespmem:s10], [sflag:$0x2], $0xFA00, $0x38;
	[tilespmem:$0x1FA00] =	vst v63  }
0x156: {  	s3 =	rddreg [dreg:$0x15]  }
0x157: {  	[hbm4b:s3+s1] =	stream.linear.scatter [tilespmem:s11], [sflag:$0x2], $0xFA00, $0x38;
	[tilespmem:$0x1FA00] =	vst v63  }
0x158: {  	s2 =	rddreg [dreg:$0x16]  }
0x159: {  	[hbm4b:s2+s1] =	stream.linear.scatter [tilespmem:s8], [sflag:$0x2], $0xFA00, $0x38;
	[tilespmem:$0x1FA00] =	vst v63  }
0x15a: {  	_ = 	snop  }
0x15b: {  	[hbm4b:s21+s1] =	stream.linear.scatter [tilespmem:s4], [sflag:$0x2], $0xFA00, $0x38;
	[tilespmem:$0x1FA00] =	vst v63  }
0x15c: {  	_ = 	snop  }
0x15d: {  	[hbm4b:s22+s1] =	stream.linear.scatter [tilespmem:s12], [sflag:$0x2], $0xFA00, $0x38;
	[tilespmem:$0x1FA00] =	vst v63  }
0x15e: {  	_ = 	snop  }
0x15f: {  	[hbm4b:s23+s1] =	stream.linear.scatter [tilespmem:s5], [sflag:$0x2], $0xFA00, $0x38;
	[tilespmem:$0x1FA00] =	vst v63  }
0x160: {  	_ =	swait.ge [sflag:s6], $0xFD00  }
0x161: {  	[sflag:s6] =	ssyncset.done $0x0  }
0x162: {  	[sflag:s6] =	ssyncadd.s32 $0xFFFF0300  }
0x163: {  	[hbm4b:s24+s1] =	stream.linear.scatter [tilespmem:s7], [sflag:$0x3], $0xFA00, $0x38;
	[tilespmem:$0x1FA00] =	vst v63  }
0x164: {  	_ = 	snop  }
0x165: {  	[hbm4b:s25+s1] =	stream.linear.scatter [tilespmem:s14], [sflag:$0x3], $0xFA00, $0x38;
	[tilespmem:$0x1FA00] =	vst v63  }
0x166: {  	_ = 	snop  }
0x167: {  	[hbm4b:s26+s1] =	stream.linear.scatter [tilespmem:s15], [sflag:$0x3], $0xFA00, $0x38;
	[tilespmem:$0x1FA00] =	vst v63  }
0x168: {  	_ = 	snop  }
0x169: {  	[hbm4b:s28+s1] =	stream.linear.scatter [tilespmem:s16], [sflag:$0x3], $0xFA00, $0x38;
	[tilespmem:$0x1FA00] =	vst v63  }
0x16a: {  	_ = 	snop  }
0x16b: {  	[hbm4b:s29+s1] =	stream.linear.scatter [tilespmem:s17], [sflag:$0x3], $0xFA00, $0x38;
	[tilespmem:$0x1FA00] =	vst v63  }
0x16c: {  	_ = 	snop  }
0x16d: {  	[hbm4b:s30+s1] =	stream.linear.scatter [tilespmem:s18], [sflag:$0x3], $0xFA00, $0x38;
	[tilespmem:$0x1FA00] =	vst v63  }
0x16e: {  	_ = 	snop  }
0x16f: {  	[hbm4b:s31+s1] =	stream.linear.scatter [tilespmem:s19], [sflag:$0x3], $0xFA00, $0x38;
	[tilespmem:$0x1FA00] =	vst v63  }
0x170: {  	_ =	swait.ge [sflag:s13], $0xFA00  }
0x171: {  	[sflag:s13] =	ssyncset.done $0x0  }
0x172: {  	[sflag:s13] =	ssyncadd.s32 $0xFFFF0600  }
0x173: {  	_ =	swait.ge [sflag:s13], $0xFA00  }
0x174: {  	[sflag:s13] =	ssyncset.done $0x0  }
0x175: {  	[sflag:s13] =	ssyncadd.s32 $0xFFFF0600  }
0x176: {  	_ =	swait.ge [sflag:s13], $0xFA00  }
0x177: {  	[sflag:s13] =	ssyncset.done $0x0  }
0x178: {  	[sflag:s13] =	ssyncadd.s32 $0xFFFF0600  }
0x179: {  	_ =	swait.ge [sflag:s13], $0xFA00  }
0x17a: {  	[sflag:s13] =	ssyncset.done $0x0  }
0x17b: {  	[sflag:s13] =	ssyncadd.s32 $0xFFFF0600  }
0x17c: {  	_ =	swait.ge [sflag:s13], $0xFA00  }
0x17d: {  	[sflag:s13] =	ssyncset.done $0x0  }
0x17e: {  	[sflag:s13] =	ssyncadd.s32 $0xFFFF0600  }
0x17f: {  	_ =	swait.ge [sflag:s13], $0xFA00  }
0x180: {  	[sflag:s13] =	ssyncset.done $0x0  }
0x181: {  	[sflag:s13] =	ssyncadd.s32 $0xFFFF0600  }
0x182: {  	_ =	swait.ge [sflag:s13], $0xFA00  }
0x183: {  	[sflag:s13] =	ssyncset.done $0x0  }
0x184: {  	[sflag:s13] =	ssyncadd.s32 $0xFFFF0600  }
0x185: {  	_ =	swait.ge [sflag:s20], $0xFA00  }
0x186: {  	[sflag:s20] =	ssyncset.done $0x0  }
0x187: {  	[sflag:s20] =	ssyncadd.s32 $0xFFFF0600  }
0x188: {  	_ =	swait.ge [sflag:s20], $0xFA00  }
0x189: {  	[sflag:s20] =	ssyncset.done $0x0  }
0x18a: {  	[sflag:s20] =	ssyncadd.s32 $0xFFFF0600  }
0x18b: {  	_ =	swait.ge [sflag:s20], $0xFA00  }
0x18c: {  	[sflag:s20] =	ssyncset.done $0x0  }
0x18d: {  	[sflag:s20] =	ssyncadd.s32 $0xFFFF0600  }
0x18e: {  	_ =	swait.ge [sflag:s20], $0xFA00  }
0x18f: {  	[sflag:s20] =	ssyncset.done $0x0  }
0x190: {  	[sflag:s20] =	ssyncadd.s32 $0xFFFF0600  }
0x191: {  	_ =	swait.ge [sflag:s20], $0xFA00  }
0x192: {  	[sflag:s20] =	ssyncset.done $0x0  }
0x193: {  	p0 =	sne.s32 s0, $0x1;
	[sflag:s20] =	ssyncadd.s32 $0xFFFF0600  }
.Ltmp1:
0x194: {  	_ =	swait.ge [sflag:s20], $0xFA00;
	(pc) =	sbr.rel @p0 .LBB2_2-.Ltmp1, $4  }
0x195: {  	[sflag:s20] =	ssyncset.done $0x0  }
0x196: {  	[sflag:s20] =	ssyncadd.s32 $0xFFFF0600  }
0x197: {  	_ =	swait.ge [sflag:s20], $0xFA00  }
0x198: {  	s0 =	sadd.s32 $0xFFFFFFFF, s0;
	[sflag:s20] =	ssyncset.done $0x0  }
.LBB2_3:
0x199: {  	[sflag:s20] =	ssyncadd.s32 $0xFFFF0600  }
0x19a: {  	_ =	sfence.sel $0x180000  }
0x19b: {  	[bflag:$0x0] =	sbarrier.arrive $0xFFFF  }
0x19c: {  	_ =	strace $0x90000047  }
0x19d: {  	s0 =	stileid.u32;
	[bflag:$0x2] =	sbarrier.arrive $0xFFFF  }
0x19e: {  	p0 =	sne.s32 s0, $0x0;
	s0 =	rddreg [dreg:$0x2]  }
0x19f: {  	s0 =	sadd.s32 @!p0 $0x100000, s0  }
0x1a0: {  	[sflag:s0] =	ssyncadd.tile.s32 @!p0 $0x1;
	_ =	shalt  }
.Lfunc_end2:
_tile_overlayer_lowered:
.L_overlay_start_2:
0x1a1: {  	(tag) =	ssettag $0x2  }
0x1a2: {  	s0 =	rddreg [dreg:$0x0];
	s2 =	stileid.u32  }
0x1a3: {  	s1 =	rddreg [dreg:$0x1];
	p0 =	sne.s32 s2, $0x0  }
0x1a4: {  	s3 =	rddreg [dreg:$0x2];
	[bflag:$0x3] =	sbarrier.arrive $0xFFFF;
	s2 =	simm.s32 @!p0 $0x1C04  }
0x1a5: {  	[timem:s3], [sflag:s2] =	dma.local @!p0 [hbm:s0], s1  }
0x1a6: {  	s0 =	simm.s32 @!p0 $0x4  }
0x1a7: {  	_ =	swait.ge @!p0 [sflag:s0], s1  }
0x1a8: {  	s1 =	ssub.s32 @!p0 $0x0, s1;
	[sflag:s0] =	ssyncset.done @!p0 $0x0  }
0x1a9: {  	[sflag:s0] =	ssyncadd.s32 @!p0 s1  }
0x1aa: {  	[bflag:$0x3] =	sbarrier.arrive $0xFFFF  }
0x1ab: {  	_ =	shalt  }

</sc_bundles>
